<compile_context>
chip_gen: v7x
topology: tpu7x:2x2x1
jax: 0.10.2.dev20260603
libtpu: 0.0.44.dev20260713+nightly
codegen_flags: <defaults>
</compile_context>

<pallas_src>
import functools
import jax
import jax.numpy as jnp
from jax import lax
from jax.experimental import pallas as pl
from jax.experimental.pallas import tpu as pltpu
from jax.experimental.pallas import tpu_sc as plsc

_NC, _NS, _L = 2, 16, 16
_NW = _NC * _NS
_ROWS, _COLS = 16384, 200
_CPW = _ROWS // _NW
_CH = 128
_K = _CPW // _CH


def _sc_body(x_hbm, fiv_hbm, vs_hbm, out_hbm, buf0, buf1, fiv, vsv,
             in_sem0, in_sem1, out_sem0, out_sem1):
    bufs = (buf0, buf1)
    in_sems = (in_sem0, in_sem1)
    out_sems = (out_sem0, out_sem1)
    wid = lax.axis_index("s") * _NC + lax.axis_index("c")
    base = wid * _CPW
    pltpu.sync_copy(fiv_hbm, fiv)
    pltpu.sync_copy(vs_hbm, vsv)
    fi = fiv[...]
    v = plsc.load_gather(vsv, [fi])
    rv = (1.0 / v.astype(jnp.float32)) * (1.0 - 2.0 ** -21)
    vu = plsc.bitcast(v, jnp.uint32)

    in_h = [None] * _K
    out_h = [None] * _K

    def start_in(k):
        b = k % 2
        in_h[k] = pltpu.make_async_copy(
            x_hbm.at[:, pl.ds(base + k * _CH, _CH)], bufs[b], in_sems[b])
        in_h[k].start()

    def start_out(k):
        b = k % 2
        out_h[k] = pltpu.make_async_copy(
            bufs[b], out_hbm.at[:, pl.ds(base + k * _CH, _CH)], out_sems[b])
        out_h[k].start()

    start_in(0)
    for k in range(_K):
        b = k % 2
        if k + 1 < _K:
            if k >= 1:
                out_h[k - 1].wait()
            start_in(k + 1)
        in_h[k].wait()
        buf = bufs[b]

        @plsc.parallel_loop(0, _COLS, 1, unroll=2)
        def _row(r_i):
            for c in range(0, _CH, _L):
                x = buf[r_i, pl.ds(c, _L)]
                q = (x.astype(jnp.float32) * rv).astype(jnp.int32)
                ru = plsc.bitcast(x - q * v, jnp.uint32)
                ru = jnp.minimum(ru, ru - vu)
                ru = jnp.minimum(ru, ru - vu)
                buf[r_i, pl.ds(c, _L)] = plsc.bitcast(ru, jnp.int32)

        start_out(k)
    out_h[_K - 2].wait()
    out_h[_K - 1].wait()


def kernel(indices, feature_idx, vocab_sizes):
    fiv = jnp.full((_L,), feature_idx, dtype=jnp.int32)
    vsp = vocab_sizes.astype(jnp.int32)
    xt = jnp.swapaxes(indices, 0, 1)
    mesh = plsc.VectorSubcoreMesh(
        core_axis_name="c", subcore_axis_name="s", num_cores=_NC, num_subcores=_NS
    )
    f = functools.partial(
        pl.kernel,
        out_type=jax.ShapeDtypeStruct((_COLS, _ROWS), indices.dtype),
        mesh=mesh,
        compiler_params=pltpu.CompilerParams(use_tc_tiling_on_sc=True, needs_layout_passes=False),
        scratch_types=[
            pltpu.VMEM((_COLS, _CH), jnp.int32),
            pltpu.VMEM((_COLS, _CH), jnp.int32),
            pltpu.VMEM((_L,), jnp.int32),
            pltpu.VMEM((vocab_sizes.shape[0],), jnp.int32),
            pltpu.SemaphoreType.DMA,
            pltpu.SemaphoreType.DMA,
            pltpu.SemaphoreType.DMA,
            pltpu.SemaphoreType.DMA,
        ],
    )(_sc_body)
    out_t = f(xt, fiv, vsp)
    return jnp.swapaxes(out_t, 0, 1)

# --- scband reference (transcript-rebuilt; emitter-appended) ---
"""Pipeline reference for scband-sparse-preproc-45226005627579 (READ-ONLY COPY).

The authoritative reference and input builder live on the scoring server;
editing this copy changes nothing except your own understanding.
"""

import jax, jax.numpy as jnp
import numpy as np

VOCAB_SIZES = [1000000, 1000000, 100000, 100000, 100000, 100000, 100000, 100000, 100000, 100000, 100000, 100000, 100000, 1000, 1000, 1000, 1000, 1000, 1000, 1000, 100000, 100000, 100000, 100000, 100000, 100000]


def setup_inputs(seed: int = 0) -> dict:
    key = jax.random.key(seed)
    indices = jax.random.randint(key, (16384, 200), 0, 2000000000, dtype=jnp.int64) if jax.config.jax_enable_x64 else jax.random.randint(key, (16384, 200), 0, 2000000000, dtype=jnp.int32)
    vocab_sizes = jnp.asarray(VOCAB_SIZES, dtype=indices.dtype)
    return {"indices": indices, "feature_idx": 2, "vocab_sizes": vocab_sizes}


def reference(indices, feature_idx, vocab_sizes):
    # Modulo hashing: map raw (possibly OOV) ids into [0, vocab) for the given feature.
    vocab = vocab_sizes[feature_idx]
    return indices % vocab

if __name__ == "__main__":
    import jax
    _d = setup_inputs()
    print(jax.jit(kernel)(*tuple(_d.values())))

</pallas_src>

<mosaic_0001>
#map = affine_map<(d0, d1) -> (0, 0)>
#map1 = affine_map<(d0, d1) -> (0)>
module attributes {stable_mosaic.version = 14 : i64} {
  func.func @_sc_body(%arg0: i32, %arg1: i32, %arg2: memref<200x16384xi32, #tpu.memory_space<hbm>>, %arg3: memref<16xi32, #tpu.memory_space<hbm>>, %arg4: memref<26xi32, #tpu.memory_space<hbm>>, %arg5: memref<200x16384xi32, #tpu.memory_space<hbm>>, %arg6: memref<200x128xi32, #tpu.memory_space<vmem>>, %arg7: memref<200x128xi32, #tpu.memory_space<vmem>>, %arg8: memref<16xi32, #tpu.memory_space<vmem>>, %arg9: memref<26xi32, #tpu.memory_space<vmem>>, %arg10: memref<!tpu.dma_semaphore, #tpu.memory_space<semaphore_mem>>, %arg11: memref<!tpu.dma_semaphore, #tpu.memory_space<semaphore_mem>>, %arg12: memref<!tpu.dma_semaphore, #tpu.memory_space<semaphore_mem>>, %arg13: memref<!tpu.dma_semaphore, #tpu.memory_space<semaphore_mem>>) attributes {dimension_semantics = [#tpu.dimension_semantics<core_parallel>, #tpu.dimension_semantics<subcore_parallel>], iteration_bounds = array<i64: 2, 16>, scalar_prefetch = 0 : i64, scratch_operands = 8 : i64, tpu.core_type = #tpu.core_type<sc_vector_subcore>, window_params = [{transform_indices = #map}, {transform_indices = #map1}, {transform_indices = #map1}, {transform_indices = #map}]} {
    %mul3A = arith.constant 2 : i32
    %mul3A_0 = arith.muli %arg1, %mul3A : i32
    %add3A = arith.addi %mul3A_0, %arg0 : i32
    %mul3A_1 = arith.constant 512 : i32
    %mul3A_2 = arith.muli %add3A, %mul3A_1 : i32
    "tpu.region"() ({
      %run_scoped3A = tpu.sem_alloc : memref<!tpu.dma_semaphore, #tpu.memory_space<semaphore_mem>>
      tpu.enqueue_dma source(%arg3 : memref<16xi32, #tpu.memory_space<hbm>>) target(%arg8 : memref<16xi32, #tpu.memory_space<vmem>>) target_semaphore(%run_scoped3A : memref<!tpu.dma_semaphore, #tpu.memory_space<semaphore_mem>>)
      tpu.wait_dma2 semaphore(%run_scoped3A : memref<!tpu.dma_semaphore, #tpu.memory_space<semaphore_mem>>) src(%arg3 : memref<16xi32, #tpu.memory_space<hbm>>) dst(%arg8 : memref<16xi32, #tpu.memory_space<vmem>>)
      tpu.yield
    }) : () -> ()
    "tpu.region"() ({
      %run_scoped3A = tpu.sem_alloc : memref<!tpu.dma_semaphore, #tpu.memory_space<semaphore_mem>>
      tpu.enqueue_dma source(%arg4 : memref<26xi32, #tpu.memory_space<hbm>>) target(%arg9 : memref<26xi32, #tpu.memory_space<vmem>>) target_semaphore(%run_scoped3A : memref<!tpu.dma_semaphore, #tpu.memory_space<semaphore_mem>>)
      tpu.wait_dma2 semaphore(%run_scoped3A : memref<!tpu.dma_semaphore, #tpu.memory_space<semaphore_mem>>) src(%arg4 : memref<26xi32, #tpu.memory_space<hbm>>) dst(%arg9 : memref<26xi32, #tpu.memory_space<vmem>>)
      tpu.yield
    }) : () -> ()
    %get3A = arith.constant 0 : index
    %get3A_3 = tpu.vector_load %arg8[%get3A] {strides = array<i32>} : memref<16xi32, #tpu.memory_space<vmem>>, vector<16xi32>,
    %gather3A = tpu.vector_load_idx %arg9[%get3A_3] : memref<26xi32, #tpu.memory_space<vmem>>[vector<16xi32>], vector<16xi32>,
    %convert_element_type3A = arith.sitofp %gather3A : vector<16xi32> to vector<16xf32>
    %div3A = arith.constant 1.000000e+00 : f32
    %div3A_4 = vector.broadcast %div3A : f32 to vector<16xf32>
    %div3A_5 = arith.divf %div3A_4, %convert_element_type3A : vector<16xf32>
    %mul3A_6 = arith.constant 0.999999523 : f32
    %mul3A_7 = vector.broadcast %mul3A_6 : f32 to vector<16xf32>
    %mul3A_8 = arith.mulf %div3A_5, %mul3A_7 : vector<16xf32>
    %bitcast3A = vector.bitcast %gather3A : vector<16xi32> to vector<16xi32>
    %add3A_9 = arith.constant 0 : i32
    %add3A_10 = arith.addi %mul3A_2, %add3A_9 : i32
    %dma_start3A = arith.constant 0 : i32
    %dma_start3A_11 = tpu.memref_slice %arg2[%dma_start3A, %add3A_10] : memref<200x16384xi32, #tpu.memory_space<hbm>> -> memref<200x128xi32, #tpu.memory_space<hbm>>
    %dma_start3A_12 = arith.constant 0 : i32
    %dma_start3A_13 = tpu.memref_slice %arg2[%dma_start3A_12, %add3A_10] : memref<200x16384xi32, #tpu.memory_space<hbm>> -> memref<200x128xi32, #tpu.memory_space<hbm>>
    tpu.enqueue_dma source(%dma_start3A_13 : memref<200x128xi32, #tpu.memory_space<hbm>>) target(%arg6 : memref<200x128xi32, #tpu.memory_space<vmem>>) target_semaphore(%arg10 : memref<!tpu.dma_semaphore, #tpu.memory_space<semaphore_mem>>)
    %add3A_14 = arith.constant 128 : i32
    %add3A_15 = arith.addi %mul3A_2, %add3A_14 : i32
    %dma_start3A_16 = arith.constant 0 : i32
    %dma_start3A_17 = tpu.memref_slice %arg2[%dma_start3A_16, %add3A_15] : memref<200x16384xi32, #tpu.memory_space<hbm>> -> memref<200x128xi32, #tpu.memory_space<hbm>>
    %dma_start3A_18 = arith.constant 0 : i32
    %dma_start3A_19 = tpu.memref_slice %arg2[%dma_start3A_18, %add3A_15] : memref<200x16384xi32, #tpu.memory_space<hbm>> -> memref<200x128xi32, #tpu.memory_space<hbm>>
    tpu.enqueue_dma source(%dma_start3A_19 : memref<200x128xi32, #tpu.memory_space<hbm>>) target(%arg7 : memref<200x128xi32, #tpu.memory_space<vmem>>) target_semaphore(%arg11 : memref<!tpu.dma_semaphore, #tpu.memory_space<semaphore_mem>>)
    %dma_wait3A = arith.constant 0 : i32
    %dma_wait3A_20 = tpu.memref_slice %arg2[%dma_wait3A, %add3A_10] : memref<200x16384xi32, #tpu.memory_space<hbm>> -> memref<200x128xi32, #tpu.memory_space<hbm>>
    %dma_wait3A_21 = arith.constant 0 : i32
    %dma_wait3A_22 = tpu.memref_slice %arg2[%dma_wait3A_21, %add3A_10] : memref<200x16384xi32, #tpu.memory_space<hbm>> -> memref<200x128xi32, #tpu.memory_space<hbm>>
    tpu.wait_dma2 semaphore(%arg10 : memref<!tpu.dma_semaphore, #tpu.memory_space<semaphore_mem>>) src(%dma_wait3A_22 : memref<200x128xi32, #tpu.memory_space<hbm>>) dst(%arg6 : memref<200x128xi32, #tpu.memory_space<vmem>>)
    %parallel_loop3A = arith.constant 0 : i32
    %parallel_loop3A_23 = arith.constant 200 : i32
    %parallel_loop3A_24 = arith.constant 1 : i32
    scf.for %parallel_loop3A_98 = %parallel_loop3A to %parallel_loop3A_23 step %parallel_loop3A_24  : i32 {
      %parallel_loop3A_99 = arith.index_cast %parallel_loop3A_98 : i32 to index
      %parallel_loop3A_100 = arith.constant 0 : index
      %parallel_loop3A_101 = tpu.vector_load %arg6[%parallel_loop3A_99, %parallel_loop3A_100] {strides = array<i32>} : memref<200x128xi32, #tpu.memory_space<vmem>>, vector<16xi32>,
      %parallel_loop3A_102 = arith.sitofp %parallel_loop3A_101 : vector<16xi32> to vector<16xf32>
      %parallel_loop3A_103 = arith.mulf %parallel_loop3A_102, %mul3A_8 : vector<16xf32>
      %parallel_loop3A_104 = arith.fptosi %parallel_loop3A_103 : vector<16xf32> to vector<16xi32>
      %parallel_loop3A_105 = arith.muli %parallel_loop3A_104, %gather3A : vector<16xi32>
      %parallel_loop3A_106 = arith.subi %parallel_loop3A_101, %parallel_loop3A_105 : vector<16xi32>
      %parallel_loop3A_107 = vector.bitcast %parallel_loop3A_106 : vector<16xi32> to vector<16xi32>
      %parallel_loop3A_108 = arith.subi %parallel_loop3A_107, %bitcast3A : vector<16xi32>
      %parallel_loop3A_109 = arith.minui %parallel_loop3A_107, %parallel_loop3A_108 : vector<16xi32>
      %parallel_loop3A_110 = arith.subi %parallel_loop3A_109, %bitcast3A : vector<16xi32>
      %parallel_loop3A_111 = arith.minui %parallel_loop3A_109, %parallel_loop3A_110 : vector<16xi32>
      %parallel_loop3A_112 = vector.bitcast %parallel_loop3A_111 : vector<16xi32> to vector<16xi32>
      %parallel_loop3A_113 = arith.index_cast %parallel_loop3A_98 : i32 to index
      %parallel_loop3A_114 = arith.constant 0 : index
      %parallel_loop3A_115 = tpu.vector_load %arg6[%parallel_loop3A_113, %parallel_loop3A_114] {strides = array<i32>} : memref<200x128xi32, #tpu.memory_space<vmem>>, vector<16xi32>,
      tpu.vector_store %arg6[%parallel_loop3A_113, %parallel_loop3A_114], %parallel_loop3A_112 {strides = array<i32>} : memref<200x128xi32, #tpu.memory_space<vmem>>, vector<16xi32>,
      %parallel_loop3A_116 = arith.index_cast %parallel_loop3A_98 : i32 to index
      %parallel_loop3A_117 = arith.constant 16 : index
      %parallel_loop3A_118 = tpu.vector_load %arg6[%parallel_loop3A_116, %parallel_loop3A_117] {strides = array<i32>} : memref<200x128xi32, #tpu.memory_space<vmem>>, vector<16xi32>,
      %parallel_loop3A_119 = arith.sitofp %parallel_loop3A_118 : vector<16xi32> to vector<16xf32>
      %parallel_loop3A_120 = arith.mulf %parallel_loop3A_119, %mul3A_8 : vector<16xf32>
      %parallel_loop3A_121 = arith.fptosi %parallel_loop3A_120 : vector<16xf32> to vector<16xi32>
      %parallel_loop3A_122 = arith.muli %parallel_loop3A_121, %gather3A : vector<16xi32>
      %parallel_loop3A_123 = arith.subi %parallel_loop3A_118, %parallel_loop3A_122 : vector<16xi32>
      %parallel_loop3A_124 = vector.bitcast %parallel_loop3A_123 : vector<16xi32> to vector<16xi32>
      %parallel_loop3A_125 = arith.subi %parallel_loop3A_124, %bitcast3A : vector<16xi32>
      %parallel_loop3A_126 = arith.minui %parallel_loop3A_124, %parallel_loop3A_125 : vector<16xi32>
      %parallel_loop3A_127 = arith.subi %parallel_loop3A_126, %bitcast3A : vector<16xi32>
      %parallel_loop3A_128 = arith.minui %parallel_loop3A_126, %parallel_loop3A_127 : vector<16xi32>
      %parallel_loop3A_129 = vector.bitcast %parallel_loop3A_128 : vector<16xi32> to vector<16xi32>
      %parallel_loop3A_130 = arith.index_cast %parallel_loop3A_98 : i32 to index
      %parallel_loop3A_131 = arith.constant 16 : index
      %parallel_loop3A_132 = tpu.vector_load %arg6[%parallel_loop3A_130, %parallel_loop3A_131] {strides = array<i32>} : memref<200x128xi32, #tpu.memory_space<vmem>>, vector<16xi32>,
      tpu.vector_store %arg6[%parallel_loop3A_130, %parallel_loop3A_131], %parallel_loop3A_129 {strides = array<i32>} : memref<200x128xi32, #tpu.memory_space<vmem>>, vector<16xi32>,
      %parallel_loop3A_133 = arith.index_cast %parallel_loop3A_98 : i32 to index
      %parallel_loop3A_134 = arith.constant 32 : index
      %parallel_loop3A_135 = tpu.vector_load %arg6[%parallel_loop3A_133, %parallel_loop3A_134] {strides = array<i32>} : memref<200x128xi32, #tpu.memory_space<vmem>>, vector<16xi32>,
      %parallel_loop3A_136 = arith.sitofp %parallel_loop3A_135 : vector<16xi32> to vector<16xf32>
      %parallel_loop3A_137 = arith.mulf %parallel_loop3A_136, %mul3A_8 : vector<16xf32>
      %parallel_loop3A_138 = arith.fptosi %parallel_loop3A_137 : vector<16xf32> to vector<16xi32>
      %parallel_loop3A_139 = arith.muli %parallel_loop3A_138, %gather3A : vector<16xi32>
      %parallel_loop3A_140 = arith.subi %parallel_loop3A_135, %parallel_loop3A_139 : vector<16xi32>
      %parallel_loop3A_141 = vector.bitcast %parallel_loop3A_140 : vector<16xi32> to vector<16xi32>
      %parallel_loop3A_142 = arith.subi %parallel_loop3A_141, %bitcast3A : vector<16xi32>
      %parallel_loop3A_143 = arith.minui %parallel_loop3A_141, %parallel_loop3A_142 : vector<16xi32>
      %parallel_loop3A_144 = arith.subi %parallel_loop3A_143, %bitcast3A : vector<16xi32>
      %parallel_loop3A_145 = arith.minui %parallel_loop3A_143, %parallel_loop3A_144 : vector<16xi32>
      %parallel_loop3A_146 = vector.bitcast %parallel_loop3A_145 : vector<16xi32> to vector<16xi32>
      %parallel_loop3A_147 = arith.index_cast %parallel_loop3A_98 : i32 to index
      %parallel_loop3A_148 = arith.constant 32 : index
      %parallel_loop3A_149 = tpu.vector_load %arg6[%parallel_loop3A_147, %parallel_loop3A_148] {strides = array<i32>} : memref<200x128xi32, #tpu.memory_space<vmem>>, vector<16xi32>,
      tpu.vector_store %arg6[%parallel_loop3A_147, %parallel_loop3A_148], %parallel_loop3A_146 {strides = array<i32>} : memref<200x128xi32, #tpu.memory_space<vmem>>, vector<16xi32>,
      %parallel_loop3A_150 = arith.index_cast %parallel_loop3A_98 : i32 to index
      %parallel_loop3A_151 = arith.constant 48 : index
      %parallel_loop3A_152 = tpu.vector_load %arg6[%parallel_loop3A_150, %parallel_loop3A_151] {strides = array<i32>} : memref<200x128xi32, #tpu.memory_space<vmem>>, vector<16xi32>,
      %parallel_loop3A_153 = arith.sitofp %parallel_loop3A_152 : vector<16xi32> to vector<16xf32>
      %parallel_loop3A_154 = arith.mulf %parallel_loop3A_153, %mul3A_8 : vector<16xf32>
      %parallel_loop3A_155 = arith.fptosi %parallel_loop3A_154 : vector<16xf32> to vector<16xi32>
      %parallel_loop3A_156 = arith.muli %parallel_loop3A_155, %gather3A : vector<16xi32>
      %parallel_loop3A_157 = arith.subi %parallel_loop3A_152, %parallel_loop3A_156 : vector<16xi32>
      %parallel_loop3A_158 = vector.bitcast %parallel_loop3A_157 : vector<16xi32> to vector<16xi32>
      %parallel_loop3A_159 = arith.subi %parallel_loop3A_158, %bitcast3A : vector<16xi32>
      %parallel_loop3A_160 = arith.minui %parallel_loop3A_158, %parallel_loop3A_159 : vector<16xi32>
      %parallel_loop3A_161 = arith.subi %parallel_loop3A_160, %bitcast3A : vector<16xi32>
      %parallel_loop3A_162 = arith.minui %parallel_loop3A_160, %parallel_loop3A_161 : vector<16xi32>
      %parallel_loop3A_163 = vector.bitcast %parallel_loop3A_162 : vector<16xi32> to vector<16xi32>
      %parallel_loop3A_164 = arith.index_cast %parallel_loop3A_98 : i32 to index
      %parallel_loop3A_165 = arith.constant 48 : index
      %parallel_loop3A_166 = tpu.vector_load %arg6[%parallel_loop3A_164, %parallel_loop3A_165] {strides = array<i32>} : memref<200x128xi32, #tpu.memory_space<vmem>>, vector<16xi32>,
      tpu.vector_store %arg6[%parallel_loop3A_164, %parallel_loop3A_165], %parallel_loop3A_163 {strides = array<i32>} : memref<200x128xi32, #tpu.memory_space<vmem>>, vector<16xi32>,
      %parallel_loop3A_167 = arith.index_cast %parallel_loop3A_98 : i32 to index
      %parallel_loop3A_168 = arith.constant 64 : index
      %parallel_loop3A_169 = tpu.vector_load %arg6[%parallel_loop3A_167, %parallel_loop3A_168] {strides = array<i32>} : memref<200x128xi32, #tpu.memory_space<vmem>>, vector<16xi32>,
      %parallel_loop3A_170 = arith.sitofp %parallel_loop3A_169 : vector<16xi32> to vector<16xf32>
      %parallel_loop3A_171 = arith.mulf %parallel_loop3A_170, %mul3A_8 : vector<16xf32>
      %parallel_loop3A_172 = arith.fptosi %parallel_loop3A_171 : vector<16xf32> to vector<16xi32>
      %parallel_loop3A_173 = arith.muli %parallel_loop3A_172, %gather3A : vector<16xi32>
      %parallel_loop3A_174 = arith.subi %parallel_loop3A_169, %parallel_loop3A_173 : vector<16xi32>
      %parallel_loop3A_175 = vector.bitcast %parallel_loop3A_174 : vector<16xi32> to vector<16xi32>
      %parallel_loop3A_176 = arith.subi %parallel_loop3A_175, %bitcast3A : vector<16xi32>
      %parallel_loop3A_177 = arith.minui %parallel_loop3A_175, %parallel_loop3A_176 : vector<16xi32>
      %parallel_loop3A_178 = arith.subi %parallel_loop3A_177, %bitcast3A : vector<16xi32>
      %parallel_loop3A_179 = arith.minui %parallel_loop3A_177, %parallel_loop3A_178 : vector<16xi32>
      %parallel_loop3A_180 = vector.bitcast %parallel_loop3A_179 : vector<16xi32> to vector<16xi32>
      %parallel_loop3A_181 = arith.index_cast %parallel_loop3A_98 : i32 to index
      %parallel_loop3A_182 = arith.constant 64 : index
      %parallel_loop3A_183 = tpu.vector_load %arg6[%parallel_loop3A_181, %parallel_loop3A_182] {strides = array<i32>} : memref<200x128xi32, #tpu.memory_space<vmem>>, vector<16xi32>,
      tpu.vector_store %arg6[%parallel_loop3A_181, %parallel_loop3A_182], %parallel_loop3A_180 {strides = array<i32>} : memref<200x128xi32, #tpu.memory_space<vmem>>, vector<16xi32>,
      %parallel_loop3A_184 = arith.index_cast %parallel_loop3A_98 : i32 to index
      %parallel_loop3A_185 = arith.constant 80 : index
      %parallel_loop3A_186 = tpu.vector_load %arg6[%parallel_loop3A_184, %parallel_loop3A_185] {strides = array<i32>} : memref<200x128xi32, #tpu.memory_space<vmem>>, vector<16xi32>,
      %parallel_loop3A_187 = arith.sitofp %parallel_loop3A_186 : vector<16xi32> to vector<16xf32>
      %parallel_loop3A_188 = arith.mulf %parallel_loop3A_187, %mul3A_8 : vector<16xf32>
      %parallel_loop3A_189 = arith.fptosi %parallel_loop3A_188 : vector<16xf32> to vector<16xi32>
      %parallel_loop3A_190 = arith.muli %parallel_loop3A_189, %gather3A : vector<16xi32>
      %parallel_loop3A_191 = arith.subi %parallel_loop3A_186, %parallel_loop3A_190 : vector<16xi32>
      %parallel_loop3A_192 = vector.bitcast %parallel_loop3A_191 : vector<16xi32> to vector<16xi32>
      %parallel_loop3A_193 = arith.subi %parallel_loop3A_192, %bitcast3A : vector<16xi32>
      %parallel_loop3A_194 = arith.minui %parallel_loop3A_192, %parallel_loop3A_193 : vector<16xi32>
      %parallel_loop3A_195 = arith.subi %parallel_loop3A_194, %bitcast3A : vector<16xi32>
      %parallel_loop3A_196 = arith.minui %parallel_loop3A_194, %parallel_loop3A_195 : vector<16xi32>
      %parallel_loop3A_197 = vector.bitcast %parallel_loop3A_196 : vector<16xi32> to vector<16xi32>
      %parallel_loop3A_198 = arith.index_cast %parallel_loop3A_98 : i32 to index
      %parallel_loop3A_199 = arith.constant 80 : index
      %parallel_loop3A_200 = tpu.vector_load %arg6[%parallel_loop3A_198, %parallel_loop3A_199] {strides = array<i32>} : memref<200x128xi32, #tpu.memory_space<vmem>>, vector<16xi32>,
      tpu.vector_store %arg6[%parallel_loop3A_198, %parallel_loop3A_199], %parallel_loop3A_197 {strides = array<i32>} : memref<200x128xi32, #tpu.memory_space<vmem>>, vector<16xi32>,
      %parallel_loop3A_201 = arith.index_cast %parallel_loop3A_98 : i32 to index
      %parallel_loop3A_202 = arith.constant 96 : index
      %parallel_loop3A_203 = tpu.vector_load %arg6[%parallel_loop3A_201, %parallel_loop3A_202] {strides = array<i32>} : memref<200x128xi32, #tpu.memory_space<vmem>>, vector<16xi32>,
      %parallel_loop3A_204 = arith.sitofp %parallel_loop3A_203 : vector<16xi32> to vector<16xf32>
      %parallel_loop3A_205 = arith.mulf %parallel_loop3A_204, %mul3A_8 : vector<16xf32>
      %parallel_loop3A_206 = arith.fptosi %parallel_loop3A_205 : vector<16xf32> to vector<16xi32>
      %parallel_loop3A_207 = arith.muli %parallel_loop3A_206, %gather3A : vector<16xi32>
      %parallel_loop3A_208 = arith.subi %parallel_loop3A_203, %parallel_loop3A_207 : vector<16xi32>
      %parallel_loop3A_209 = vector.bitcast %parallel_loop3A_208 : vector<16xi32> to vector<16xi32>
      %parallel_loop3A_210 = arith.subi %parallel_loop3A_209, %bitcast3A : vector<16xi32>
      %parallel_loop3A_211 = arith.minui %parallel_loop3A_209, %parallel_loop3A_210 : vector<16xi32>
      %parallel_loop3A_212 = arith.subi %parallel_loop3A_211, %bitcast3A : vector<16xi32>
      %parallel_loop3A_213 = arith.minui %parallel_loop3A_211, %parallel_loop3A_212 : vector<16xi32>
      %parallel_loop3A_214 = vector.bitcast %parallel_loop3A_213 : vector<16xi32> to vector<16xi32>
      %parallel_loop3A_215 = arith.index_cast %parallel_loop3A_98 : i32 to index
      %parallel_loop3A_216 = arith.constant 96 : index
      %parallel_loop3A_217 = tpu.vector_load %arg6[%parallel_loop3A_215, %parallel_loop3A_216] {strides = array<i32>} : memref<200x128xi32, #tpu.memory_space<vmem>>, vector<16xi32>,
      tpu.vector_store %arg6[%parallel_loop3A_215, %parallel_loop3A_216], %parallel_loop3A_214 {strides = array<i32>} : memref<200x128xi32, #tpu.memory_space<vmem>>, vector<16xi32>,
      %parallel_loop3A_218 = arith.index_cast %parallel_loop3A_98 : i32 to index
      %parallel_loop3A_219 = arith.constant 112 : index
      %parallel_loop3A_220 = tpu.vector_load %arg6[%parallel_loop3A_218, %parallel_loop3A_219] {strides = array<i32>} : memref<200x128xi32, #tpu.memory_space<vmem>>, vector<16xi32>,
      %parallel_loop3A_221 = arith.sitofp %parallel_loop3A_220 : vector<16xi32> to vector<16xf32>
      %parallel_loop3A_222 = arith.mulf %parallel_loop3A_221, %mul3A_8 : vector<16xf32>
      %parallel_loop3A_223 = arith.fptosi %parallel_loop3A_222 : vector<16xf32> to vector<16xi32>
      %parallel_loop3A_224 = arith.muli %parallel_loop3A_223, %gather3A : vector<16xi32>
      %parallel_loop3A_225 = arith.subi %parallel_loop3A_220, %parallel_loop3A_224 : vector<16xi32>
      %parallel_loop3A_226 = vector.bitcast %parallel_loop3A_225 : vector<16xi32> to vector<16xi32>
      %parallel_loop3A_227 = arith.subi %parallel_loop3A_226, %bitcast3A : vector<16xi32>
      %parallel_loop3A_228 = arith.minui %parallel_loop3A_226, %parallel_loop3A_227 : vector<16xi32>
      %parallel_loop3A_229 = arith.subi %parallel_loop3A_228, %bitcast3A : vector<16xi32>
      %parallel_loop3A_230 = arith.minui %parallel_loop3A_228, %parallel_loop3A_229 : vector<16xi32>
      %parallel_loop3A_231 = vector.bitcast %parallel_loop3A_230 : vector<16xi32> to vector<16xi32>
      %parallel_loop3A_232 = arith.index_cast %parallel_loop3A_98 : i32 to index
      %parallel_loop3A_233 = arith.constant 112 : index
      %parallel_loop3A_234 = tpu.vector_load %arg6[%parallel_loop3A_232, %parallel_loop3A_233] {strides = array<i32>} : memref<200x128xi32, #tpu.memory_space<vmem>>, vector<16xi32>,
      tpu.vector_store %arg6[%parallel_loop3A_232, %parallel_loop3A_233], %parallel_loop3A_231 {strides = array<i32>} : memref<200x128xi32, #tpu.memory_space<vmem>>, vector<16xi32>,
    } {sc.loop_unroll_factor = 2 : i64, sc.parallel_access}
    %add3A_25 = arith.constant 0 : i32
    %add3A_26 = arith.addi %mul3A_2, %add3A_25 : i32
    %dma_start3A_27 = arith.constant 0 : i32
    %dma_start3A_28 = tpu.memref_slice %arg5[%dma_start3A_27, %add3A_26] : memref<200x16384xi32, #tpu.memory_space<hbm>> -> memref<200x128xi32, #tpu.memory_space<hbm>>
    %dma_start3A_29 = arith.constant 0 : i32
    %dma_start3A_30 = tpu.memref_slice %arg5[%dma_start3A_29, %add3A_26] : memref<200x16384xi32, #tpu.memory_space<hbm>> -> memref<200x128xi32, #tpu.memory_space<hbm>>
    tpu.enqueue_dma source(%arg6 : memref<200x128xi32, #tpu.memory_space<vmem>>) target(%dma_start3A_30 : memref<200x128xi32, #tpu.memory_space<hbm>>) target_semaphore(%arg12 : memref<!tpu.dma_semaphore, #tpu.memory_space<semaphore_mem>>)
    %dma_wait3A_31 = arith.constant 0 : i32
    %dma_wait3A_32 = tpu.memref_slice %arg5[%dma_wait3A_31, %add3A_26] : memref<200x16384xi32, #tpu.memory_space<hbm>> -> memref<200x128xi32, #tpu.memory_space<hbm>>
    %dma_wait3A_33 = arith.constant 0 : i32
    %dma_wait3A_34 = tpu.memref_slice %arg5[%dma_wait3A_33, %add3A_26] : memref<200x16384xi32, #tpu.memory_space<hbm>> -> memref<200x128xi32, #tpu.memory_space<hbm>>
    tpu.wait_dma2 semaphore(%arg12 : memref<!tpu.dma_semaphore, #tpu.memory_space<semaphore_mem>>) src(%arg6 : memref<200x128xi32, #tpu.memory_space<vmem>>) dst(%dma_wait3A_34 : memref<200x128xi32, #tpu.memory_space<hbm>>)
    %add3A_35 = arith.constant 256 : i32
    %add3A_36 = arith.addi %mul3A_2, %add3A_35 : i32
    %dma_start3A_37 = arith.constant 0 : i32
    %dma_start3A_38 = tpu.memref_slice %arg2[%dma_start3A_37, %add3A_36] : memref<200x16384xi32, #tpu.memory_space<hbm>> -> memref<200x128xi32, #tpu.memory_space<hbm>>
    %dma_start3A_39 = arith.constant 0 : i32
    %dma_start3A_40 = tpu.memref_slice %arg2[%dma_start3A_39, %add3A_36] : memref<200x16384xi32, #tpu.memory_space<hbm>> -> memref<200x128xi32, #tpu.memory_space<hbm>>
    tpu.enqueue_dma source(%dma_start3A_40 : memref<200x128xi32, #tpu.memory_space<hbm>>) target(%arg6 : memref<200x128xi32, #tpu.memory_space<vmem>>) target_semaphore(%arg10 : memref<!tpu.dma_semaphore, #tpu.memory_space<semaphore_mem>>)
    %dma_wait3A_41 = arith.constant 0 : i32
    %dma_wait3A_42 = tpu.memref_slice %arg2[%dma_wait3A_41, %add3A_15] : memref<200x16384xi32, #tpu.memory_space<hbm>> -> memref<200x128xi32, #tpu.memory_space<hbm>>
    %dma_wait3A_43 = arith.constant 0 : i32
    %dma_wait3A_44 = tpu.memref_slice %arg2[%dma_wait3A_43, %add3A_15] : memref<200x16384xi32, #tpu.memory_space<hbm>> -> memref<200x128xi32, #tpu.memory_space<hbm>>
    tpu.wait_dma2 semaphore(%arg11 : memref<!tpu.dma_semaphore, #tpu.memory_space<semaphore_mem>>) src(%dma_wait3A_44 : memref<200x128xi32, #tpu.memory_space<hbm>>) dst(%arg7 : memref<200x128xi32, #tpu.memory_space<vmem>>)
    %parallel_loop3A_45 = arith.constant 0 : i32
    %parallel_loop3A_46 = arith.constant 200 : i32
    %parallel_loop3A_47 = arith.constant 1 : i32
    scf.for %parallel_loop3A_98 = %parallel_loop3A_45 to %parallel_loop3A_46 step %parallel_loop3A_47  : i32 {
      %parallel_loop3A_99 = arith.index_cast %parallel_loop3A_98 : i32 to index
      %parallel_loop3A_100 = arith.constant 0 : index
      %parallel_loop3A_101 = tpu.vector_load %arg7[%parallel_loop3A_99, %parallel_loop3A_100] {strides = array<i32>} : memref<200x128xi32, #tpu.memory_space<vmem>>, vector<16xi32>,
      %parallel_loop3A_102 = arith.sitofp %parallel_loop3A_101 : vector<16xi32> to vector<16xf32>
      %parallel_loop3A_103 = arith.mulf %parallel_loop3A_102, %mul3A_8 : vector<16xf32>
      %parallel_loop3A_104 = arith.fptosi %parallel_loop3A_103 : vector<16xf32> to vector<16xi32>
      %parallel_loop3A_105 = arith.muli %parallel_loop3A_104, %gather3A : vector<16xi32>
      %parallel_loop3A_106 = arith.subi %parallel_loop3A_101, %parallel_loop3A_105 : vector<16xi32>
      %parallel_loop3A_107 = vector.bitcast %parallel_loop3A_106 : vector<16xi32> to vector<16xi32>
      %parallel_loop3A_108 = arith.subi %parallel_loop3A_107, %bitcast3A : vector<16xi32>
      %parallel_loop3A_109 = arith.minui %parallel_loop3A_107, %parallel_loop3A_108 : vector<16xi32>
      %parallel_loop3A_110 = arith.subi %parallel_loop3A_109, %bitcast3A : vector<16xi32>
      %parallel_loop3A_111 = arith.minui %parallel_loop3A_109, %parallel_loop3A_110 : vector<16xi32>
      %parallel_loop3A_112 = vector.bitcast %parallel_loop3A_111 : vector<16xi32> to vector<16xi32>
      %parallel_loop3A_113 = arith.index_cast %parallel_loop3A_98 : i32 to index
      %parallel_loop3A_114 = arith.constant 0 : index
      %parallel_loop3A_115 = tpu.vector_load %arg7[%parallel_loop3A_113, %parallel_loop3A_114] {strides = array<i32>} : memref<200x128xi32, #tpu.memory_space<vmem>>, vector<16xi32>,
      tpu.vector_store %arg7[%parallel_loop3A_113, %parallel_loop3A_114], %parallel_loop3A_112 {strides = array<i32>} : memref<200x128xi32, #tpu.memory_space<vmem>>, vector<16xi32>,
      %parallel_loop3A_116 = arith.index_cast %parallel_loop3A_98 : i32 to index
      %parallel_loop3A_117 = arith.constant 16 : index
      %parallel_loop3A_118 = tpu.vector_load %arg7[%parallel_loop3A_116, %parallel_loop3A_117] {strides = array<i32>} : memref<200x128xi32, #tpu.memory_space<vmem>>, vector<16xi32>,
      %parallel_loop3A_119 = arith.sitofp %parallel_loop3A_118 : vector<16xi32> to vector<16xf32>
      %parallel_loop3A_120 = arith.mulf %parallel_loop3A_119, %mul3A_8 : vector<16xf32>
      %parallel_loop3A_121 = arith.fptosi %parallel_loop3A_120 : vector<16xf32> to vector<16xi32>
      %parallel_loop3A_122 = arith.muli %parallel_loop3A_121, %gather3A : vector<16xi32>
      %parallel_loop3A_123 = arith.subi %parallel_loop3A_118, %parallel_loop3A_122 : vector<16xi32>
      %parallel_loop3A_124 = vector.bitcast %parallel_loop3A_123 : vector<16xi32> to vector<16xi32>
      %parallel_loop3A_125 = arith.subi %parallel_loop3A_124, %bitcast3A : vector<16xi32>
      %parallel_loop3A_126 = arith.minui %parallel_loop3A_124, %parallel_loop3A_125 : vector<16xi32>
      %parallel_loop3A_127 = arith.subi %parallel_loop3A_126, %bitcast3A : vector<16xi32>
      %parallel_loop3A_128 = arith.minui %parallel_loop3A_126, %parallel_loop3A_127 : vector<16xi32>
      %parallel_loop3A_129 = vector.bitcast %parallel_loop3A_128 : vector<16xi32> to vector<16xi32>
      %parallel_loop3A_130 = arith.index_cast %parallel_loop3A_98 : i32 to index
      %parallel_loop3A_131 = arith.constant 16 : index
      %parallel_loop3A_132 = tpu.vector_load %arg7[%parallel_loop3A_130, %parallel_loop3A_131] {strides = array<i32>} : memref<200x128xi32, #tpu.memory_space<vmem>>, vector<16xi32>,
      tpu.vector_store %arg7[%parallel_loop3A_130, %parallel_loop3A_131], %parallel_loop3A_129 {strides = array<i32>} : memref<200x128xi32, #tpu.memory_space<vmem>>, vector<16xi32>,
      %parallel_loop3A_133 = arith.index_cast %parallel_loop3A_98 : i32 to index
      %parallel_loop3A_134 = arith.constant 32 : index
      %parallel_loop3A_135 = tpu.vector_load %arg7[%parallel_loop3A_133, %parallel_loop3A_134] {strides = array<i32>} : memref<200x128xi32, #tpu.memory_space<vmem>>, vector<16xi32>,
      %parallel_loop3A_136 = arith.sitofp %parallel_loop3A_135 : vector<16xi32> to vector<16xf32>
      %parallel_loop3A_137 = arith.mulf %parallel_loop3A_136, %mul3A_8 : vector<16xf32>
      %parallel_loop3A_138 = arith.fptosi %parallel_loop3A_137 : vector<16xf32> to vector<16xi32>
      %parallel_loop3A_139 = arith.muli %parallel_loop3A_138, %gather3A : vector<16xi32>
      %parallel_loop3A_140 = arith.subi %parallel_loop3A_135, %parallel_loop3A_139 : vector<16xi32>
      %parallel_loop3A_141 = vector.bitcast %parallel_loop3A_140 : vector<16xi32> to vector<16xi32>
      %parallel_loop3A_142 = arith.subi %parallel_loop3A_141, %bitcast3A : vector<16xi32>
      %parallel_loop3A_143 = arith.minui %parallel_loop3A_141, %parallel_loop3A_142 : vector<16xi32>
      %parallel_loop3A_144 = arith.subi %parallel_loop3A_143, %bitcast3A : vector<16xi32>
      %parallel_loop3A_145 = arith.minui %parallel_loop3A_143, %parallel_loop3A_144 : vector<16xi32>
      %parallel_loop3A_146 = vector.bitcast %parallel_loop3A_145 : vector<16xi32> to vector<16xi32>
      %parallel_loop3A_147 = arith.index_cast %parallel_loop3A_98 : i32 to index
      %parallel_loop3A_148 = arith.constant 32 : index
      %parallel_loop3A_149 = tpu.vector_load %arg7[%parallel_loop3A_147, %parallel_loop3A_148] {strides = array<i32>} : memref<200x128xi32, #tpu.memory_space<vmem>>, vector<16xi32>,
      tpu.vector_store %arg7[%parallel_loop3A_147, %parallel_loop3A_148], %parallel_loop3A_146 {strides = array<i32>} : memref<200x128xi32, #tpu.memory_space<vmem>>, vector<16xi32>,
      %parallel_loop3A_150 = arith.index_cast %parallel_loop3A_98 : i32 to index
      %parallel_loop3A_151 = arith.constant 48 : index
      %parallel_loop3A_152 = tpu.vector_load %arg7[%parallel_loop3A_150, %parallel_loop3A_151] {strides = array<i32>} : memref<200x128xi32, #tpu.memory_space<vmem>>, vector<16xi32>,
      %parallel_loop3A_153 = arith.sitofp %parallel_loop3A_152 : vector<16xi32> to vector<16xf32>
      %parallel_loop3A_154 = arith.mulf %parallel_loop3A_153, %mul3A_8 : vector<16xf32>
      %parallel_loop3A_155 = arith.fptosi %parallel_loop3A_154 : vector<16xf32> to vector<16xi32>
      %parallel_loop3A_156 = arith.muli %parallel_loop3A_155, %gather3A : vector<16xi32>
      %parallel_loop3A_157 = arith.subi %parallel_loop3A_152, %parallel_loop3A_156 : vector<16xi32>
      %parallel_loop3A_158 = vector.bitcast %parallel_loop3A_157 : vector<16xi32> to vector<16xi32>
      %parallel_loop3A_159 = arith.subi %parallel_loop3A_158, %bitcast3A : vector<16xi32>
      %parallel_loop3A_160 = arith.minui %parallel_loop3A_158, %parallel_loop3A_159 : vector<16xi32>
      %parallel_loop3A_161 = arith.subi %parallel_loop3A_160, %bitcast3A : vector<16xi32>
      %parallel_loop3A_162 = arith.minui %parallel_loop3A_160, %parallel_loop3A_161 : vector<16xi32>
      %parallel_loop3A_163 = vector.bitcast %parallel_loop3A_162 : vector<16xi32> to vector<16xi32>
      %parallel_loop3A_164 = arith.index_cast %parallel_loop3A_98 : i32 to index
      %parallel_loop3A_165 = arith.constant 48 : index
      %parallel_loop3A_166 = tpu.vector_load %arg7[%parallel_loop3A_164, %parallel_loop3A_165] {strides = array<i32>} : memref<200x128xi32, #tpu.memory_space<vmem>>, vector<16xi32>,
      tpu.vector_store %arg7[%parallel_loop3A_164, %parallel_loop3A_165], %parallel_loop3A_163 {strides = array<i32>} : memref<200x128xi32, #tpu.memory_space<vmem>>, vector<16xi32>,
      %parallel_loop3A_167 = arith.index_cast %parallel_loop3A_98 : i32 to index
      %parallel_loop3A_168 = arith.constant 64 : index
      %parallel_loop3A_169 = tpu.vector_load %arg7[%parallel_loop3A_167, %parallel_loop3A_168] {strides = array<i32>} : memref<200x128xi32, #tpu.memory_space<vmem>>, vector<16xi32>,
      %parallel_loop3A_170 = arith.sitofp %parallel_loop3A_169 : vector<16xi32> to vector<16xf32>
      %parallel_loop3A_171 = arith.mulf %parallel_loop3A_170, %mul3A_8 : vector<16xf32>
      %parallel_loop3A_172 = arith.fptosi %parallel_loop3A_171 : vector<16xf32> to vector<16xi32>
      %parallel_loop3A_173 = arith.muli %parallel_loop3A_172, %gather3A : vector<16xi32>
      %parallel_loop3A_174 = arith.subi %parallel_loop3A_169, %parallel_loop3A_173 : vector<16xi32>
      %parallel_loop3A_175 = vector.bitcast %parallel_loop3A_174 : vector<16xi32> to vector<16xi32>
      %parallel_loop3A_176 = arith.subi %parallel_loop3A_175, %bitcast3A : vector<16xi32>
      %parallel_loop3A_177 = arith.minui %parallel_loop3A_175, %parallel_loop3A_176 : vector<16xi32>
      %parallel_loop3A_178 = arith.subi %parallel_loop3A_177, %bitcast3A : vector<16xi32>
      %parallel_loop3A_179 = arith.minui %parallel_loop3A_177, %parallel_loop3A_178 : vector<16xi32>
      %parallel_loop3A_180 = vector.bitcast %parallel_loop3A_179 : vector<16xi32> to vector<16xi32>
      %parallel_loop3A_181 = arith.index_cast %parallel_loop3A_98 : i32 to index
      %parallel_loop3A_182 = arith.constant 64 : index
      %parallel_loop3A_183 = tpu.vector_load %arg7[%parallel_loop3A_181, %parallel_loop3A_182] {strides = array<i32>} : memref<200x128xi32, #tpu.memory_space<vmem>>, vector<16xi32>,
      tpu.vector_store %arg7[%parallel_loop3A_181, %parallel_loop3A_182], %parallel_loop3A_180 {strides = array<i32>} : memref<200x128xi32, #tpu.memory_space<vmem>>, vector<16xi32>,
      %parallel_loop3A_184 = arith.index_cast %parallel_loop3A_98 : i32 to index
      %parallel_loop3A_185 = arith.constant 80 : index
      %parallel_loop3A_186 = tpu.vector_load %arg7[%parallel_loop3A_184, %parallel_loop3A_185] {strides = array<i32>} : memref<200x128xi32, #tpu.memory_space<vmem>>, vector<16xi32>,
      %parallel_loop3A_187 = arith.sitofp %parallel_loop3A_186 : vector<16xi32> to vector<16xf32>
      %parallel_loop3A_188 = arith.mulf %parallel_loop3A_187, %mul3A_8 : vector<16xf32>
      %parallel_loop3A_189 = arith.fptosi %parallel_loop3A_188 : vector<16xf32> to vector<16xi32>
      %parallel_loop3A_190 = arith.muli %parallel_loop3A_189, %gather3A : vector<16xi32>
      %parallel_loop3A_191 = arith.subi %parallel_loop3A_186, %parallel_loop3A_190 : vector<16xi32>
      %parallel_loop3A_192 = vector.bitcast %parallel_loop3A_191 : vector<16xi32> to vector<16xi32>
      %parallel_loop3A_193 = arith.subi %parallel_loop3A_192, %bitcast3A : vector<16xi32>
      %parallel_loop3A_194 = arith.minui %parallel_loop3A_192, %parallel_loop3A_193 : vector<16xi32>
      %parallel_loop3A_195 = arith.subi %parallel_loop3A_194, %bitcast3A : vector<16xi32>
      %parallel_loop3A_196 = arith.minui %parallel_loop3A_194, %parallel_loop3A_195 : vector<16xi32>
      %parallel_loop3A_197 = vector.bitcast %parallel_loop3A_196 : vector<16xi32> to vector<16xi32>
      %parallel_loop3A_198 = arith.index_cast %parallel_loop3A_98 : i32 to index
      %parallel_loop3A_199 = arith.constant 80 : index
      %parallel_loop3A_200 = tpu.vector_load %arg7[%parallel_loop3A_198, %parallel_loop3A_199] {strides = array<i32>} : memref<200x128xi32, #tpu.memory_space<vmem>>, vector<16xi32>,
      tpu.vector_store %arg7[%parallel_loop3A_198, %parallel_loop3A_199], %parallel_loop3A_197 {strides = array<i32>} : memref<200x128xi32, #tpu.memory_space<vmem>>, vector<16xi32>,
      %parallel_loop3A_201 = arith.index_cast %parallel_loop3A_98 : i32 to index
      %parallel_loop3A_202 = arith.constant 96 : index
      %parallel_loop3A_203 = tpu.vector_load %arg7[%parallel_loop3A_201, %parallel_loop3A_202] {strides = array<i32>} : memref<200x128xi32, #tpu.memory_space<vmem>>, vector<16xi32>,
      %parallel_loop3A_204 = arith.sitofp %parallel_loop3A_203 : vector<16xi32> to vector<16xf32>
      %parallel_loop3A_205 = arith.mulf %parallel_loop3A_204, %mul3A_8 : vector<16xf32>
      %parallel_loop3A_206 = arith.fptosi %parallel_loop3A_205 : vector<16xf32> to vector<16xi32>
      %parallel_loop3A_207 = arith.muli %parallel_loop3A_206, %gather3A : vector<16xi32>
      %parallel_loop3A_208 = arith.subi %parallel_loop3A_203, %parallel_loop3A_207 : vector<16xi32>
      %parallel_loop3A_209 = vector.bitcast %parallel_loop3A_208 : vector<16xi32> to vector<16xi32>
      %parallel_loop3A_210 = arith.subi %parallel_loop3A_209, %bitcast3A : vector<16xi32>
      %parallel_loop3A_211 = arith.minui %parallel_loop3A_209, %parallel_loop3A_210 : vector<16xi32>
      %parallel_loop3A_212 = arith.subi %parallel_loop3A_211, %bitcast3A : vector<16xi32>
      %parallel_loop3A_213 = arith.minui %parallel_loop3A_211, %parallel_loop3A_212 : vector<16xi32>
      %parallel_loop3A_214 = vector.bitcast %parallel_loop3A_213 : vector<16xi32> to vector<16xi32>
      %parallel_loop3A_215 = arith.index_cast %parallel_loop3A_98 : i32 to index
      %parallel_loop3A_216 = arith.constant 96 : index
      %parallel_loop3A_217 = tpu.vector_load %arg7[%parallel_loop3A_215, %parallel_loop3A_216] {strides = array<i32>} : memref<200x128xi32, #tpu.memory_space<vmem>>, vector<16xi32>,
      tpu.vector_store %arg7[%parallel_loop3A_215, %parallel_loop3A_216], %parallel_loop3A_214 {strides = array<i32>} : memref<200x128xi32, #tpu.memory_space<vmem>>, vector<16xi32>,
      %parallel_loop3A_218 = arith.index_cast %parallel_loop3A_98 : i32 to index
      %parallel_loop3A_219 = arith.constant 112 : index
      %parallel_loop3A_220 = tpu.vector_load %arg7[%parallel_loop3A_218, %parallel_loop3A_219] {strides = array<i32>} : memref<200x128xi32, #tpu.memory_space<vmem>>, vector<16xi32>,
      %parallel_loop3A_221 = arith.sitofp %parallel_loop3A_220 : vector<16xi32> to vector<16xf32>
      %parallel_loop3A_222 = arith.mulf %parallel_loop3A_221, %mul3A_8 : vector<16xf32>
      %parallel_loop3A_223 = arith.fptosi %parallel_loop3A_222 : vector<16xf32> to vector<16xi32>
      %parallel_loop3A_224 = arith.muli %parallel_loop3A_223, %gather3A : vector<16xi32>
      %parallel_loop3A_225 = arith.subi %parallel_loop3A_220, %parallel_loop3A_224 : vector<16xi32>
      %parallel_loop3A_226 = vector.bitcast %parallel_loop3A_225 : vector<16xi32> to vector<16xi32>
      %parallel_loop3A_227 = arith.subi %parallel_loop3A_226, %bitcast3A : vector<16xi32>
      %parallel_loop3A_228 = arith.minui %parallel_loop3A_226, %parallel_loop3A_227 : vector<16xi32>
      %parallel_loop3A_229 = arith.subi %parallel_loop3A_228, %bitcast3A : vector<16xi32>
      %parallel_loop3A_230 = arith.minui %parallel_loop3A_228, %parallel_loop3A_229 : vector<16xi32>
      %parallel_loop3A_231 = vector.bitcast %parallel_loop3A_230 : vector<16xi32> to vector<16xi32>
      %parallel_loop3A_232 = arith.index_cast %parallel_loop3A_98 : i32 to index
      %parallel_loop3A_233 = arith.constant 112 : index
      %parallel_loop3A_234 = tpu.vector_load %arg7[%parallel_loop3A_232, %parallel_loop3A_233] {strides = array<i32>} : memref<200x128xi32, #tpu.memory_space<vmem>>, vector<16xi32>,
      tpu.vector_store %arg7[%parallel_loop3A_232, %parallel_loop3A_233], %parallel_loop3A_231 {strides = array<i32>} : memref<200x128xi32, #tpu.memory_space<vmem>>, vector<16xi32>,
    } {sc.loop_unroll_factor = 2 : i64, sc.parallel_access}
    %add3A_48 = arith.constant 128 : i32
    %add3A_49 = arith.addi %mul3A_2, %add3A_48 : i32
    %dma_start3A_50 = arith.constant 0 : i32
    %dma_start3A_51 = tpu.memref_slice %arg5[%dma_start3A_50, %add3A_49] : memref<200x16384xi32, #tpu.memory_space<hbm>> -> memref<200x128xi32, #tpu.memory_space<hbm>>
    %dma_start3A_52 = arith.constant 0 : i32
    %dma_start3A_53 = tpu.memref_slice %arg5[%dma_start3A_52, %add3A_49] : memref<200x16384xi32, #tpu.memory_space<hbm>> -> memref<200x128xi32, #tpu.memory_space<hbm>>
    tpu.enqueue_dma source(%arg7 : memref<200x128xi32, #tpu.memory_space<vmem>>) target(%dma_start3A_53 : memref<200x128xi32, #tpu.memory_space<hbm>>) target_semaphore(%arg13 : memref<!tpu.dma_semaphore, #tpu.memory_space<semaphore_mem>>)
    %dma_wait3A_54 = arith.constant 0 : i32
    %dma_wait3A_55 = tpu.memref_slice %arg5[%dma_wait3A_54, %add3A_49] : memref<200x16384xi32, #tpu.memory_space<hbm>> -> memref<200x128xi32, #tpu.memory_space<hbm>>
    %dma_wait3A_56 = arith.constant 0 : i32
    %dma_wait3A_57 = tpu.memref_slice %arg5[%dma_wait3A_56, %add3A_49] : memref<200x16384xi32, #tpu.memory_space<hbm>> -> memref<200x128xi32, #tpu.memory_space<hbm>>
    tpu.wait_dma2 semaphore(%arg13 : memref<!tpu.dma_semaphore, #tpu.memory_space<semaphore_mem>>) src(%arg7 : memref<200x128xi32, #tpu.memory_space<vmem>>) dst(%dma_wait3A_57 : memref<200x128xi32, #tpu.memory_space<hbm>>)
    %add3A_58 = arith.constant 384 : i32
    %add3A_59 = arith.addi %mul3A_2, %add3A_58 : i32
    %dma_start3A_60 = arith.constant 0 : i32
    %dma_start3A_61 = tpu.memref_slice %arg2[%dma_start3A_60, %add3A_59] : memref<200x16384xi32, #tpu.memory_space<hbm>> -> memref<200x128xi32, #tpu.memory_space<hbm>>
    %dma_start3A_62 = arith.constant 0 : i32
    %dma_start3A_63 = tpu.memref_slice %arg2[%dma_start3A_62, %add3A_59] : memref<200x16384xi32, #tpu.memory_space<hbm>> -> memref<200x128xi32, #tpu.memory_space<hbm>>
    tpu.enqueue_dma source(%dma_start3A_63 : memref<200x128xi32, #tpu.memory_space<hbm>>) target(%arg7 : memref<200x128xi32, #tpu.memory_space<vmem>>) target_semaphore(%arg11 : memref<!tpu.dma_semaphore, #tpu.memory_space<semaphore_mem>>)
    %dma_wait3A_64 = arith.constant 0 : i32
    %dma_wait3A_65 = tpu.memref_slice %arg2[%dma_wait3A_64, %add3A_36] : memref<200x16384xi32, #tpu.memory_space<hbm>> -> memref<200x128xi32, #tpu.memory_space<hbm>>
    %dma_wait3A_66 = arith.constant 0 : i32
    %dma_wait3A_67 = tpu.memref_slice %arg2[%dma_wait3A_66, %add3A_36] : memref<200x16384xi32, #tpu.memory_space<hbm>> -> memref<200x128xi32, #tpu.memory_space<hbm>>
    tpu.wait_dma2 semaphore(%arg10 : memref<!tpu.dma_semaphore, #tpu.memory_space<semaphore_mem>>) src(%dma_wait3A_67 : memref<200x128xi32, #tpu.memory_space<hbm>>) dst(%arg6 : memref<200x128xi32, #tpu.memory_space<vmem>>)
    %parallel_loop3A_68 = arith.constant 0 : i32
    %parallel_loop3A_69 = arith.constant 200 : i32
    %parallel_loop3A_70 = arith.constant 1 : i32
    scf.for %parallel_loop3A_98 = %parallel_loop3A_68 to %parallel_loop3A_69 step %parallel_loop3A_70  : i32 {
      %parallel_loop3A_99 = arith.index_cast %parallel_loop3A_98 : i32 to index
      %parallel_loop3A_100 = arith.constant 0 : index
      %parallel_loop3A_101 = tpu.vector_load %arg6[%parallel_loop3A_99, %parallel_loop3A_100] {strides = array<i32>} : memref<200x128xi32, #tpu.memory_space<vmem>>, vector<16xi32>,
      %parallel_loop3A_102 = arith.sitofp %parallel_loop3A_101 : vector<16xi32> to vector<16xf32>
      %parallel_loop3A_103 = arith.mulf %parallel_loop3A_102, %mul3A_8 : vector<16xf32>
      %parallel_loop3A_104 = arith.fptosi %parallel_loop3A_103 : vector<16xf32> to vector<16xi32>
      %parallel_loop3A_105 = arith.muli %parallel_loop3A_104, %gather3A : vector<16xi32>
      %parallel_loop3A_106 = arith.subi %parallel_loop3A_101, %parallel_loop3A_105 : vector<16xi32>
      %parallel_loop3A_107 = vector.bitcast %parallel_loop3A_106 : vector<16xi32> to vector<16xi32>
      %parallel_loop3A_108 = arith.subi %parallel_loop3A_107, %bitcast3A : vector<16xi32>
      %parallel_loop3A_109 = arith.minui %parallel_loop3A_107, %parallel_loop3A_108 : vector<16xi32>
      %parallel_loop3A_110 = arith.subi %parallel_loop3A_109, %bitcast3A : vector<16xi32>
      %parallel_loop3A_111 = arith.minui %parallel_loop3A_109, %parallel_loop3A_110 : vector<16xi32>
      %parallel_loop3A_112 = vector.bitcast %parallel_loop3A_111 : vector<16xi32> to vector<16xi32>
      %parallel_loop3A_113 = arith.index_cast %parallel_loop3A_98 : i32 to index
      %parallel_loop3A_114 = arith.constant 0 : index
      %parallel_loop3A_115 = tpu.vector_load %arg6[%parallel_loop3A_113, %parallel_loop3A_114] {strides = array<i32>} : memref<200x128xi32, #tpu.memory_space<vmem>>, vector<16xi32>,
      tpu.vector_store %arg6[%parallel_loop3A_113, %parallel_loop3A_114], %parallel_loop3A_112 {strides = array<i32>} : memref<200x128xi32, #tpu.memory_space<vmem>>, vector<16xi32>,
      %parallel_loop3A_116 = arith.index_cast %parallel_loop3A_98 : i32 to index
      %parallel_loop3A_117 = arith.constant 16 : index
      %parallel_loop3A_118 = tpu.vector_load %arg6[%parallel_loop3A_116, %parallel_loop3A_117] {strides = array<i32>} : memref<200x128xi32, #tpu.memory_space<vmem>>, vector<16xi32>,
      %parallel_loop3A_119 = arith.sitofp %parallel_loop3A_118 : vector<16xi32> to vector<16xf32>
      %parallel_loop3A_120 = arith.mulf %parallel_loop3A_119, %mul3A_8 : vector<16xf32>
      %parallel_loop3A_121 = arith.fptosi %parallel_loop3A_120 : vector<16xf32> to vector<16xi32>
      %parallel_loop3A_122 = arith.muli %parallel_loop3A_121, %gather3A : vector<16xi32>
      %parallel_loop3A_123 = arith.subi %parallel_loop3A_118, %parallel_loop3A_122 : vector<16xi32>
      %parallel_loop3A_124 = vector.bitcast %parallel_loop3A_123 : vector<16xi32> to vector<16xi32>
      %parallel_loop3A_125 = arith.subi %parallel_loop3A_124, %bitcast3A : vector<16xi32>
      %parallel_loop3A_126 = arith.minui %parallel_loop3A_124, %parallel_loop3A_125 : vector<16xi32>
      %parallel_loop3A_127 = arith.subi %parallel_loop3A_126, %bitcast3A : vector<16xi32>
      %parallel_loop3A_128 = arith.minui %parallel_loop3A_126, %parallel_loop3A_127 : vector<16xi32>
      %parallel_loop3A_129 = vector.bitcast %parallel_loop3A_128 : vector<16xi32> to vector<16xi32>
      %parallel_loop3A_130 = arith.index_cast %parallel_loop3A_98 : i32 to index
      %parallel_loop3A_131 = arith.constant 16 : index
      %parallel_loop3A_132 = tpu.vector_load %arg6[%parallel_loop3A_130, %parallel_loop3A_131] {strides = array<i32>} : memref<200x128xi32, #tpu.memory_space<vmem>>, vector<16xi32>,
      tpu.vector_store %arg6[%parallel_loop3A_130, %parallel_loop3A_131], %parallel_loop3A_129 {strides = array<i32>} : memref<200x128xi32, #tpu.memory_space<vmem>>, vector<16xi32>,
      %parallel_loop3A_133 = arith.index_cast %parallel_loop3A_98 : i32 to index
      %parallel_loop3A_134 = arith.constant 32 : index
      %parallel_loop3A_135 = tpu.vector_load %arg6[%parallel_loop3A_133, %parallel_loop3A_134] {strides = array<i32>} : memref<200x128xi32, #tpu.memory_space<vmem>>, vector<16xi32>,
      %parallel_loop3A_136 = arith.sitofp %parallel_loop3A_135 : vector<16xi32> to vector<16xf32>
      %parallel_loop3A_137 = arith.mulf %parallel_loop3A_136, %mul3A_8 : vector<16xf32>
      %parallel_loop3A_138 = arith.fptosi %parallel_loop3A_137 : vector<16xf32> to vector<16xi32>
      %parallel_loop3A_139 = arith.muli %parallel_loop3A_138, %gather3A : vector<16xi32>
      %parallel_loop3A_140 = arith.subi %parallel_loop3A_135, %parallel_loop3A_139 : vector<16xi32>
      %parallel_loop3A_141 = vector.bitcast %parallel_loop3A_140 : vector<16xi32> to vector<16xi32>
      %parallel_loop3A_142 = arith.subi %parallel_loop3A_141, %bitcast3A : vector<16xi32>
      %parallel_loop3A_143 = arith.minui %parallel_loop3A_141, %parallel_loop3A_142 : vector<16xi32>
      %parallel_loop3A_144 = arith.subi %parallel_loop3A_143, %bitcast3A : vector<16xi32>
      %parallel_loop3A_145 = arith.minui %parallel_loop3A_143, %parallel_loop3A_144 : vector<16xi32>
      %parallel_loop3A_146 = vector.bitcast %parallel_loop3A_145 : vector<16xi32> to vector<16xi32>
      %parallel_loop3A_147 = arith.index_cast %parallel_loop3A_98 : i32 to index
      %parallel_loop3A_148 = arith.constant 32 : index
      %parallel_loop3A_149 = tpu.vector_load %arg6[%parallel_loop3A_147, %parallel_loop3A_148] {strides = array<i32>} : memref<200x128xi32, #tpu.memory_space<vmem>>, vector<16xi32>,
      tpu.vector_store %arg6[%parallel_loop3A_147, %parallel_loop3A_148], %parallel_loop3A_146 {strides = array<i32>} : memref<200x128xi32, #tpu.memory_space<vmem>>, vector<16xi32>,
      %parallel_loop3A_150 = arith.index_cast %parallel_loop3A_98 : i32 to index
      %parallel_loop3A_151 = arith.constant 48 : index
      %parallel_loop3A_152 = tpu.vector_load %arg6[%parallel_loop3A_150, %parallel_loop3A_151] {strides = array<i32>} : memref<200x128xi32, #tpu.memory_space<vmem>>, vector<16xi32>,
      %parallel_loop3A_153 = arith.sitofp %parallel_loop3A_152 : vector<16xi32> to vector<16xf32>
      %parallel_loop3A_154 = arith.mulf %parallel_loop3A_153, %mul3A_8 : vector<16xf32>
      %parallel_loop3A_155 = arith.fptosi %parallel_loop3A_154 : vector<16xf32> to vector<16xi32>
      %parallel_loop3A_156 = arith.muli %parallel_loop3A_155, %gather3A : vector<16xi32>
      %parallel_loop3A_157 = arith.subi %parallel_loop3A_152, %parallel_loop3A_156 : vector<16xi32>
      %parallel_loop3A_158 = vector.bitcast %parallel_loop3A_157 : vector<16xi32> to vector<16xi32>
      %parallel_loop3A_159 = arith.subi %parallel_loop3A_158, %bitcast3A : vector<16xi32>
      %parallel_loop3A_160 = arith.minui %parallel_loop3A_158, %parallel_loop3A_159 : vector<16xi32>
      %parallel_loop3A_161 = arith.subi %parallel_loop3A_160, %bitcast3A : vector<16xi32>
      %parallel_loop3A_162 = arith.minui %parallel_loop3A_160, %parallel_loop3A_161 : vector<16xi32>
      %parallel_loop3A_163 = vector.bitcast %parallel_loop3A_162 : vector<16xi32> to vector<16xi32>
      %parallel_loop3A_164 = arith.index_cast %parallel_loop3A_98 : i32 to index
      %parallel_loop3A_165 = arith.constant 48 : index
      %parallel_loop3A_166 = tpu.vector_load %arg6[%parallel_loop3A_164, %parallel_loop3A_165] {strides = array<i32>} : memref<200x128xi32, #tpu.memory_space<vmem>>, vector<16xi32>,
      tpu.vector_store %arg6[%parallel_loop3A_164, %parallel_loop3A_165], %parallel_loop3A_163 {strides = array<i32>} : memref<200x128xi32, #tpu.memory_space<vmem>>, vector<16xi32>,
      %parallel_loop3A_167 = arith.index_cast %parallel_loop3A_98 : i32 to index
      %parallel_loop3A_168 = arith.constant 64 : index
      %parallel_loop3A_169 = tpu.vector_load %arg6[%parallel_loop3A_167, %parallel_loop3A_168] {strides = array<i32>} : memref<200x128xi32, #tpu.memory_space<vmem>>, vector<16xi32>,
      %parallel_loop3A_170 = arith.sitofp %parallel_loop3A_169 : vector<16xi32> to vector<16xf32>
      %parallel_loop3A_171 = arith.mulf %parallel_loop3A_170, %mul3A_8 : vector<16xf32>
      %parallel_loop3A_172 = arith.fptosi %parallel_loop3A_171 : vector<16xf32> to vector<16xi32>
      %parallel_loop3A_173 = arith.muli %parallel_loop3A_172, %gather3A : vector<16xi32>
      %parallel_loop3A_174 = arith.subi %parallel_loop3A_169, %parallel_loop3A_173 : vector<16xi32>
      %parallel_loop3A_175 = vector.bitcast %parallel_loop3A_174 : vector<16xi32> to vector<16xi32>
      %parallel_loop3A_176 = arith.subi %parallel_loop3A_175, %bitcast3A : vector<16xi32>
      %parallel_loop3A_177 = arith.minui %parallel_loop3A_175, %parallel_loop3A_176 : vector<16xi32>
      %parallel_loop3A_178 = arith.subi %parallel_loop3A_177, %bitcast3A : vector<16xi32>
      %parallel_loop3A_179 = arith.minui %parallel_loop3A_177, %parallel_loop3A_178 : vector<16xi32>
      %parallel_loop3A_180 = vector.bitcast %parallel_loop3A_179 : vector<16xi32> to vector<16xi32>
      %parallel_loop3A_181 = arith.index_cast %parallel_loop3A_98 : i32 to index
      %parallel_loop3A_182 = arith.constant 64 : index
      %parallel_loop3A_183 = tpu.vector_load %arg6[%parallel_loop3A_181, %parallel_loop3A_182] {strides = array<i32>} : memref<200x128xi32, #tpu.memory_space<vmem>>, vector<16xi32>,
      tpu.vector_store %arg6[%parallel_loop3A_181, %parallel_loop3A_182], %parallel_loop3A_180 {strides = array<i32>} : memref<200x128xi32, #tpu.memory_space<vmem>>, vector<16xi32>,
      %parallel_loop3A_184 = arith.index_cast %parallel_loop3A_98 : i32 to index
      %parallel_loop3A_185 = arith.constant 80 : index
      %parallel_loop3A_186 = tpu.vector_load %arg6[%parallel_loop3A_184, %parallel_loop3A_185] {strides = array<i32>} : memref<200x128xi32, #tpu.memory_space<vmem>>, vector<16xi32>,
      %parallel_loop3A_187 = arith.sitofp %parallel_loop3A_186 : vector<16xi32> to vector<16xf32>
      %parallel_loop3A_188 = arith.mulf %parallel_loop3A_187, %mul3A_8 : vector<16xf32>
      %parallel_loop3A_189 = arith.fptosi %parallel_loop3A_188 : vector<16xf32> to vector<16xi32>
      %parallel_loop3A_190 = arith.muli %parallel_loop3A_189, %gather3A : vector<16xi32>
      %parallel_loop3A_191 = arith.subi %parallel_loop3A_186, %parallel_loop3A_190 : vector<16xi32>
      %parallel_loop3A_192 = vector.bitcast %parallel_loop3A_191 : vector<16xi32> to vector<16xi32>
      %parallel_loop3A_193 = arith.subi %parallel_loop3A_192, %bitcast3A : vector<16xi32>
      %parallel_loop3A_194 = arith.minui %parallel_loop3A_192, %parallel_loop3A_193 : vector<16xi32>
      %parallel_loop3A_195 = arith.subi %parallel_loop3A_194, %bitcast3A : vector<16xi32>
      %parallel_loop3A_196 = arith.minui %parallel_loop3A_194, %parallel_loop3A_195 : vector<16xi32>
      %parallel_loop3A_197 = vector.bitcast %parallel_loop3A_196 : vector<16xi32> to vector<16xi32>
      %parallel_loop3A_198 = arith.index_cast %parallel_loop3A_98 : i32 to index
      %parallel_loop3A_199 = arith.constant 80 : index
      %parallel_loop3A_200 = tpu.vector_load %arg6[%parallel_loop3A_198, %parallel_loop3A_199] {strides = array<i32>} : memref<200x128xi32, #tpu.memory_space<vmem>>, vector<16xi32>,
      tpu.vector_store %arg6[%parallel_loop3A_198, %parallel_loop3A_199], %parallel_loop3A_197 {strides = array<i32>} : memref<200x128xi32, #tpu.memory_space<vmem>>, vector<16xi32>,
      %parallel_loop3A_201 = arith.index_cast %parallel_loop3A_98 : i32 to index
      %parallel_loop3A_202 = arith.constant 96 : index
      %parallel_loop3A_203 = tpu.vector_load %arg6[%parallel_loop3A_201, %parallel_loop3A_202] {strides = array<i32>} : memref<200x128xi32, #tpu.memory_space<vmem>>, vector<16xi32>,
      %parallel_loop3A_204 = arith.sitofp %parallel_loop3A_203 : vector<16xi32> to vector<16xf32>
      %parallel_loop3A_205 = arith.mulf %parallel_loop3A_204, %mul3A_8 : vector<16xf32>
      %parallel_loop3A_206 = arith.fptosi %parallel_loop3A_205 : vector<16xf32> to vector<16xi32>
      %parallel_loop3A_207 = arith.muli %parallel_loop3A_206, %gather3A : vector<16xi32>
      %parallel_loop3A_208 = arith.subi %parallel_loop3A_203, %parallel_loop3A_207 : vector<16xi32>
      %parallel_loop3A_209 = vector.bitcast %parallel_loop3A_208 : vector<16xi32> to vector<16xi32>
      %parallel_loop3A_210 = arith.subi %parallel_loop3A_209, %bitcast3A : vector<16xi32>
      %parallel_loop3A_211 = arith.minui %parallel_loop3A_209, %parallel_loop3A_210 : vector<16xi32>
      %parallel_loop3A_212 = arith.subi %parallel_loop3A_211, %bitcast3A : vector<16xi32>
      %parallel_loop3A_213 = arith.minui %parallel_loop3A_211, %parallel_loop3A_212 : vector<16xi32>
      %parallel_loop3A_214 = vector.bitcast %parallel_loop3A_213 : vector<16xi32> to vector<16xi32>
      %parallel_loop3A_215 = arith.index_cast %parallel_loop3A_98 : i32 to index
      %parallel_loop3A_216 = arith.constant 96 : index
      %parallel_loop3A_217 = tpu.vector_load %arg6[%parallel_loop3A_215, %parallel_loop3A_216] {strides = array<i32>} : memref<200x128xi32, #tpu.memory_space<vmem>>, vector<16xi32>,
      tpu.vector_store %arg6[%parallel_loop3A_215, %parallel_loop3A_216], %parallel_loop3A_214 {strides = array<i32>} : memref<200x128xi32, #tpu.memory_space<vmem>>, vector<16xi32>,
      %parallel_loop3A_218 = arith.index_cast %parallel_loop3A_98 : i32 to index
      %parallel_loop3A_219 = arith.constant 112 : index
      %parallel_loop3A_220 = tpu.vector_load %arg6[%parallel_loop3A_218, %parallel_loop3A_219] {strides = array<i32>} : memref<200x128xi32, #tpu.memory_space<vmem>>, vector<16xi32>,
      %parallel_loop3A_221 = arith.sitofp %parallel_loop3A_220 : vector<16xi32> to vector<16xf32>
      %parallel_loop3A_222 = arith.mulf %parallel_loop3A_221, %mul3A_8 : vector<16xf32>
      %parallel_loop3A_223 = arith.fptosi %parallel_loop3A_222 : vector<16xf32> to vector<16xi32>
      %parallel_loop3A_224 = arith.muli %parallel_loop3A_223, %gather3A : vector<16xi32>
      %parallel_loop3A_225 = arith.subi %parallel_loop3A_220, %parallel_loop3A_224 : vector<16xi32>
      %parallel_loop3A_226 = vector.bitcast %parallel_loop3A_225 : vector<16xi32> to vector<16xi32>
      %parallel_loop3A_227 = arith.subi %parallel_loop3A_226, %bitcast3A : vector<16xi32>
      %parallel_loop3A_228 = arith.minui %parallel_loop3A_226, %parallel_loop3A_227 : vector<16xi32>
      %parallel_loop3A_229 = arith.subi %parallel_loop3A_228, %bitcast3A : vector<16xi32>
      %parallel_loop3A_230 = arith.minui %parallel_loop3A_228, %parallel_loop3A_229 : vector<16xi32>
      %parallel_loop3A_231 = vector.bitcast %parallel_loop3A_230 : vector<16xi32> to vector<16xi32>
      %parallel_loop3A_232 = arith.index_cast %parallel_loop3A_98 : i32 to index
      %parallel_loop3A_233 = arith.constant 112 : index
      %parallel_loop3A_234 = tpu.vector_load %arg6[%parallel_loop3A_232, %parallel_loop3A_233] {strides = array<i32>} : memref<200x128xi32, #tpu.memory_space<vmem>>, vector<16xi32>,
      tpu.vector_store %arg6[%parallel_loop3A_232, %parallel_loop3A_233], %parallel_loop3A_231 {strides = array<i32>} : memref<200x128xi32, #tpu.memory_space<vmem>>, vector<16xi32>,
    } {sc.loop_unroll_factor = 2 : i64, sc.parallel_access}
    %add3A_71 = arith.constant 256 : i32
    %add3A_72 = arith.addi %mul3A_2, %add3A_71 : i32
    %dma_start3A_73 = arith.constant 0 : i32
    %dma_start3A_74 = tpu.memref_slice %arg5[%dma_start3A_73, %add3A_72] : memref<200x16384xi32, #tpu.memory_space<hbm>> -> memref<200x128xi32, #tpu.memory_space<hbm>>
    %dma_start3A_75 = arith.constant 0 : i32
    %dma_start3A_76 = tpu.memref_slice %arg5[%dma_start3A_75, %add3A_72] : memref<200x16384xi32, #tpu.memory_space<hbm>> -> memref<200x128xi32, #tpu.memory_space<hbm>>
    tpu.enqueue_dma source(%arg6 : memref<200x128xi32, #tpu.memory_space<vmem>>) target(%dma_start3A_76 : memref<200x128xi32, #tpu.memory_space<hbm>>) target_semaphore(%arg12 : memref<!tpu.dma_semaphore, #tpu.memory_space<semaphore_mem>>)
    %dma_wait3A_77 = arith.constant 0 : i32
    %dma_wait3A_78 = tpu.memref_slice %arg2[%dma_wait3A_77, %add3A_59] : memref<200x16384xi32, #tpu.memory_space<hbm>> -> memref<200x128xi32, #tpu.memory_space<hbm>>
    %dma_wait3A_79 = arith.constant 0 : i32
    %dma_wait3A_80 = tpu.memref_slice %arg2[%dma_wait3A_79, %add3A_59] : memref<200x16384xi32, #tpu.memory_space<hbm>> -> memref<200x128xi32, #tpu.memory_space<hbm>>
    tpu.wait_dma2 semaphore(%arg11 : memref<!tpu.dma_semaphore, #tpu.memory_space<semaphore_mem>>) src(%dma_wait3A_80 : memref<200x128xi32, #tpu.memory_space<hbm>>) dst(%arg7 : memref<200x128xi32, #tpu.memory_space<vmem>>)
    %parallel_loop3A_81 = arith.constant 0 : i32
    %parallel_loop3A_82 = arith.constant 200 : i32
    %parallel_loop3A_83 = arith.constant 1 : i32
    scf.for %parallel_loop3A_98 = %parallel_loop3A_81 to %parallel_loop3A_82 step %parallel_loop3A_83  : i32 {
      %parallel_loop3A_99 = arith.index_cast %parallel_loop3A_98 : i32 to index
      %parallel_loop3A_100 = arith.constant 0 : index
      %parallel_loop3A_101 = tpu.vector_load %arg7[%parallel_loop3A_99, %parallel_loop3A_100] {strides = array<i32>} : memref<200x128xi32, #tpu.memory_space<vmem>>, vector<16xi32>,
      %parallel_loop3A_102 = arith.sitofp %parallel_loop3A_101 : vector<16xi32> to vector<16xf32>
      %parallel_loop3A_103 = arith.mulf %parallel_loop3A_102, %mul3A_8 : vector<16xf32>
      %parallel_loop3A_104 = arith.fptosi %parallel_loop3A_103 : vector<16xf32> to vector<16xi32>
      %parallel_loop3A_105 = arith.muli %parallel_loop3A_104, %gather3A : vector<16xi32>
      %parallel_loop3A_106 = arith.subi %parallel_loop3A_101, %parallel_loop3A_105 : vector<16xi32>
      %parallel_loop3A_107 = vector.bitcast %parallel_loop3A_106 : vector<16xi32> to vector<16xi32>
      %parallel_loop3A_108 = arith.subi %parallel_loop3A_107, %bitcast3A : vector<16xi32>
      %parallel_loop3A_109 = arith.minui %parallel_loop3A_107, %parallel_loop3A_108 : vector<16xi32>
      %parallel_loop3A_110 = arith.subi %parallel_loop3A_109, %bitcast3A : vector<16xi32>
      %parallel_loop3A_111 = arith.minui %parallel_loop3A_109, %parallel_loop3A_110 : vector<16xi32>
      %parallel_loop3A_112 = vector.bitcast %parallel_loop3A_111 : vector<16xi32> to vector<16xi32>
      %parallel_loop3A_113 = arith.index_cast %parallel_loop3A_98 : i32 to index
      %parallel_loop3A_114 = arith.constant 0 : index
      %parallel_loop3A_115 = tpu.vector_load %arg7[%parallel_loop3A_113, %parallel_loop3A_114] {strides = array<i32>} : memref<200x128xi32, #tpu.memory_space<vmem>>, vector<16xi32>,
      tpu.vector_store %arg7[%parallel_loop3A_113, %parallel_loop3A_114], %parallel_loop3A_112 {strides = array<i32>} : memref<200x128xi32, #tpu.memory_space<vmem>>, vector<16xi32>,
      %parallel_loop3A_116 = arith.index_cast %parallel_loop3A_98 : i32 to index
      %parallel_loop3A_117 = arith.constant 16 : index
      %parallel_loop3A_118 = tpu.vector_load %arg7[%parallel_loop3A_116, %parallel_loop3A_117] {strides = array<i32>} : memref<200x128xi32, #tpu.memory_space<vmem>>, vector<16xi32>,
      %parallel_loop3A_119 = arith.sitofp %parallel_loop3A_118 : vector<16xi32> to vector<16xf32>
      %parallel_loop3A_120 = arith.mulf %parallel_loop3A_119, %mul3A_8 : vector<16xf32>
      %parallel_loop3A_121 = arith.fptosi %parallel_loop3A_120 : vector<16xf32> to vector<16xi32>
      %parallel_loop3A_122 = arith.muli %parallel_loop3A_121, %gather3A : vector<16xi32>
      %parallel_loop3A_123 = arith.subi %parallel_loop3A_118, %parallel_loop3A_122 : vector<16xi32>
      %parallel_loop3A_124 = vector.bitcast %parallel_loop3A_123 : vector<16xi32> to vector<16xi32>
      %parallel_loop3A_125 = arith.subi %parallel_loop3A_124, %bitcast3A : vector<16xi32>
      %parallel_loop3A_126 = arith.minui %parallel_loop3A_124, %parallel_loop3A_125 : vector<16xi32>
      %parallel_loop3A_127 = arith.subi %parallel_loop3A_126, %bitcast3A : vector<16xi32>
      %parallel_loop3A_128 = arith.minui %parallel_loop3A_126, %parallel_loop3A_127 : vector<16xi32>
      %parallel_loop3A_129 = vector.bitcast %parallel_loop3A_128 : vector<16xi32> to vector<16xi32>
      %parallel_loop3A_130 = arith.index_cast %parallel_loop3A_98 : i32 to index
      %parallel_loop3A_131 = arith.constant 16 : index
      %parallel_loop3A_132 = tpu.vector_load %arg7[%parallel_loop3A_130, %parallel_loop3A_131] {strides = array<i32>} : memref<200x128xi32, #tpu.memory_space<vmem>>, vector<16xi32>,
      tpu.vector_store %arg7[%parallel_loop3A_130, %parallel_loop3A_131], %parallel_loop3A_129 {strides = array<i32>} : memref<200x128xi32, #tpu.memory_space<vmem>>, vector<16xi32>,
      %parallel_loop3A_133 = arith.index_cast %parallel_loop3A_98 : i32 to index
      %parallel_loop3A_134 = arith.constant 32 : index
      %parallel_loop3A_135 = tpu.vector_load %arg7[%parallel_loop3A_133, %parallel_loop3A_134] {strides = array<i32>} : memref<200x128xi32, #tpu.memory_space<vmem>>, vector<16xi32>,
      %parallel_loop3A_136 = arith.sitofp %parallel_loop3A_135 : vector<16xi32> to vector<16xf32>
      %parallel_loop3A_137 = arith.mulf %parallel_loop3A_136, %mul3A_8 : vector<16xf32>
      %parallel_loop3A_138 = arith.fptosi %parallel_loop3A_137 : vector<16xf32> to vector<16xi32>
      %parallel_loop3A_139 = arith.muli %parallel_loop3A_138, %gather3A : vector<16xi32>
      %parallel_loop3A_140 = arith.subi %parallel_loop3A_135, %parallel_loop3A_139 : vector<16xi32>
      %parallel_loop3A_141 = vector.bitcast %parallel_loop3A_140 : vector<16xi32> to vector<16xi32>
      %parallel_loop3A_142 = arith.subi %parallel_loop3A_141, %bitcast3A : vector<16xi32>
      %parallel_loop3A_143 = arith.minui %parallel_loop3A_141, %parallel_loop3A_142 : vector<16xi32>
      %parallel_loop3A_144 = arith.subi %parallel_loop3A_143, %bitcast3A : vector<16xi32>
      %parallel_loop3A_145 = arith.minui %parallel_loop3A_143, %parallel_loop3A_144 : vector<16xi32>
      %parallel_loop3A_146 = vector.bitcast %parallel_loop3A_145 : vector<16xi32> to vector<16xi32>
      %parallel_loop3A_147 = arith.index_cast %parallel_loop3A_98 : i32 to index
      %parallel_loop3A_148 = arith.constant 32 : index
      %parallel_loop3A_149 = tpu.vector_load %arg7[%parallel_loop3A_147, %parallel_loop3A_148] {strides = array<i32>} : memref<200x128xi32, #tpu.memory_space<vmem>>, vector<16xi32>,
      tpu.vector_store %arg7[%parallel_loop3A_147, %parallel_loop3A_148], %parallel_loop3A_146 {strides = array<i32>} : memref<200x128xi32, #tpu.memory_space<vmem>>, vector<16xi32>,
      %parallel_loop3A_150 = arith.index_cast %parallel_loop3A_98 : i32 to index
      %parallel_loop3A_151 = arith.constant 48 : index
      %parallel_loop3A_152 = tpu.vector_load %arg7[%parallel_loop3A_150, %parallel_loop3A_151] {strides = array<i32>} : memref<200x128xi32, #tpu.memory_space<vmem>>, vector<16xi32>,
      %parallel_loop3A_153 = arith.sitofp %parallel_loop3A_152 : vector<16xi32> to vector<16xf32>
      %parallel_loop3A_154 = arith.mulf %parallel_loop3A_153, %mul3A_8 : vector<16xf32>
      %parallel_loop3A_155 = arith.fptosi %parallel_loop3A_154 : vector<16xf32> to vector<16xi32>
      %parallel_loop3A_156 = arith.muli %parallel_loop3A_155, %gather3A : vector<16xi32>
      %parallel_loop3A_157 = arith.subi %parallel_loop3A_152, %parallel_loop3A_156 : vector<16xi32>
      %parallel_loop3A_158 = vector.bitcast %parallel_loop3A_157 : vector<16xi32> to vector<16xi32>
      %parallel_loop3A_159 = arith.subi %parallel_loop3A_158, %bitcast3A : vector<16xi32>
      %parallel_loop3A_160 = arith.minui %parallel_loop3A_158, %parallel_loop3A_159 : vector<16xi32>
      %parallel_loop3A_161 = arith.subi %parallel_loop3A_160, %bitcast3A : vector<16xi32>
      %parallel_loop3A_162 = arith.minui %parallel_loop3A_160, %parallel_loop3A_161 : vector<16xi32>
      %parallel_loop3A_163 = vector.bitcast %parallel_loop3A_162 : vector<16xi32> to vector<16xi32>
      %parallel_loop3A_164 = arith.index_cast %parallel_loop3A_98 : i32 to index
      %parallel_loop3A_165 = arith.constant 48 : index
      %parallel_loop3A_166 = tpu.vector_load %arg7[%parallel_loop3A_164, %parallel_loop3A_165] {strides = array<i32>} : memref<200x128xi32, #tpu.memory_space<vmem>>, vector<16xi32>,
      tpu.vector_store %arg7[%parallel_loop3A_164, %parallel_loop3A_165], %parallel_loop3A_163 {strides = array<i32>} : memref<200x128xi32, #tpu.memory_space<vmem>>, vector<16xi32>,
      %parallel_loop3A_167 = arith.index_cast %parallel_loop3A_98 : i32 to index
      %parallel_loop3A_168 = arith.constant 64 : index
      %parallel_loop3A_169 = tpu.vector_load %arg7[%parallel_loop3A_167, %parallel_loop3A_168] {strides = array<i32>} : memref<200x128xi32, #tpu.memory_space<vmem>>, vector<16xi32>,
      %parallel_loop3A_170 = arith.sitofp %parallel_loop3A_169 : vector<16xi32> to vector<16xf32>
      %parallel_loop3A_171 = arith.mulf %parallel_loop3A_170, %mul3A_8 : vector<16xf32>
      %parallel_loop3A_172 = arith.fptosi %parallel_loop3A_171 : vector<16xf32> to vector<16xi32>
      %parallel_loop3A_173 = arith.muli %parallel_loop3A_172, %gather3A : vector<16xi32>
      %parallel_loop3A_174 = arith.subi %parallel_loop3A_169, %parallel_loop3A_173 : vector<16xi32>
      %parallel_loop3A_175 = vector.bitcast %parallel_loop3A_174 : vector<16xi32> to vector<16xi32>
      %parallel_loop3A_176 = arith.subi %parallel_loop3A_175, %bitcast3A : vector<16xi32>
      %parallel_loop3A_177 = arith.minui %parallel_loop3A_175, %parallel_loop3A_176 : vector<16xi32>
      %parallel_loop3A_178 = arith.subi %parallel_loop3A_177, %bitcast3A : vector<16xi32>
      %parallel_loop3A_179 = arith.minui %parallel_loop3A_177, %parallel_loop3A_178 : vector<16xi32>
      %parallel_loop3A_180 = vector.bitcast %parallel_loop3A_179 : vector<16xi32> to vector<16xi32>
      %parallel_loop3A_181 = arith.index_cast %parallel_loop3A_98 : i32 to index
      %parallel_loop3A_182 = arith.constant 64 : index
      %parallel_loop3A_183 = tpu.vector_load %arg7[%parallel_loop3A_181, %parallel_loop3A_182] {strides = array<i32>} : memref<200x128xi32, #tpu.memory_space<vmem>>, vector<16xi32>,
      tpu.vector_store %arg7[%parallel_loop3A_181, %parallel_loop3A_182], %parallel_loop3A_180 {strides = array<i32>} : memref<200x128xi32, #tpu.memory_space<vmem>>, vector<16xi32>,
      %parallel_loop3A_184 = arith.index_cast %parallel_loop3A_98 : i32 to index
      %parallel_loop3A_185 = arith.constant 80 : index
      %parallel_loop3A_186 = tpu.vector_load %arg7[%parallel_loop3A_184, %parallel_loop3A_185] {strides = array<i32>} : memref<200x128xi32, #tpu.memory_space<vmem>>, vector<16xi32>,
      %parallel_loop3A_187 = arith.sitofp %parallel_loop3A_186 : vector<16xi32> to vector<16xf32>
      %parallel_loop3A_188 = arith.mulf %parallel_loop3A_187, %mul3A_8 : vector<16xf32>
      %parallel_loop3A_189 = arith.fptosi %parallel_loop3A_188 : vector<16xf32> to vector<16xi32>
      %parallel_loop3A_190 = arith.muli %parallel_loop3A_189, %gather3A : vector<16xi32>
      %parallel_loop3A_191 = arith.subi %parallel_loop3A_186, %parallel_loop3A_190 : vector<16xi32>
      %parallel_loop3A_192 = vector.bitcast %parallel_loop3A_191 : vector<16xi32> to vector<16xi32>
      %parallel_loop3A_193 = arith.subi %parallel_loop3A_192, %bitcast3A : vector<16xi32>
      %parallel_loop3A_194 = arith.minui %parallel_loop3A_192, %parallel_loop3A_193 : vector<16xi32>
      %parallel_loop3A_195 = arith.subi %parallel_loop3A_194, %bitcast3A : vector<16xi32>
      %parallel_loop3A_196 = arith.minui %parallel_loop3A_194, %parallel_loop3A_195 : vector<16xi32>
      %parallel_loop3A_197 = vector.bitcast %parallel_loop3A_196 : vector<16xi32> to vector<16xi32>
      %parallel_loop3A_198 = arith.index_cast %parallel_loop3A_98 : i32 to index
      %parallel_loop3A_199 = arith.constant 80 : index
      %parallel_loop3A_200 = tpu.vector_load %arg7[%parallel_loop3A_198, %parallel_loop3A_199] {strides = array<i32>} : memref<200x128xi32, #tpu.memory_space<vmem>>, vector<16xi32>,
      tpu.vector_store %arg7[%parallel_loop3A_198, %parallel_loop3A_199], %parallel_loop3A_197 {strides = array<i32>} : memref<200x128xi32, #tpu.memory_space<vmem>>, vector<16xi32>,
      %parallel_loop3A_201 = arith.index_cast %parallel_loop3A_98 : i32 to index
      %parallel_loop3A_202 = arith.constant 96 : index
      %parallel_loop3A_203 = tpu.vector_load %arg7[%parallel_loop3A_201, %parallel_loop3A_202] {strides = array<i32>} : memref<200x128xi32, #tpu.memory_space<vmem>>, vector<16xi32>,
      %parallel_loop3A_204 = arith.sitofp %parallel_loop3A_203 : vector<16xi32> to vector<16xf32>
      %parallel_loop3A_205 = arith.mulf %parallel_loop3A_204, %mul3A_8 : vector<16xf32>
      %parallel_loop3A_206 = arith.fptosi %parallel_loop3A_205 : vector<16xf32> to vector<16xi32>
      %parallel_loop3A_207 = arith.muli %parallel_loop3A_206, %gather3A : vector<16xi32>
      %parallel_loop3A_208 = arith.subi %parallel_loop3A_203, %parallel_loop3A_207 : vector<16xi32>
      %parallel_loop3A_209 = vector.bitcast %parallel_loop3A_208 : vector<16xi32> to vector<16xi32>
      %parallel_loop3A_210 = arith.subi %parallel_loop3A_209, %bitcast3A : vector<16xi32>
      %parallel_loop3A_211 = arith.minui %parallel_loop3A_209, %parallel_loop3A_210 : vector<16xi32>
      %parallel_loop3A_212 = arith.subi %parallel_loop3A_211, %bitcast3A : vector<16xi32>
      %parallel_loop3A_213 = arith.minui %parallel_loop3A_211, %parallel_loop3A_212 : vector<16xi32>
      %parallel_loop3A_214 = vector.bitcast %parallel_loop3A_213 : vector<16xi32> to vector<16xi32>
      %parallel_loop3A_215 = arith.index_cast %parallel_loop3A_98 : i32 to index
      %parallel_loop3A_216 = arith.constant 96 : index
      %parallel_loop3A_217 = tpu.vector_load %arg7[%parallel_loop3A_215, %parallel_loop3A_216] {strides = array<i32>} : memref<200x128xi32, #tpu.memory_space<vmem>>, vector<16xi32>,
      tpu.vector_store %arg7[%parallel_loop3A_215, %parallel_loop3A_216], %parallel_loop3A_214 {strides = array<i32>} : memref<200x128xi32, #tpu.memory_space<vmem>>, vector<16xi32>,
      %parallel_loop3A_218 = arith.index_cast %parallel_loop3A_98 : i32 to index
      %parallel_loop3A_219 = arith.constant 112 : index
      %parallel_loop3A_220 = tpu.vector_load %arg7[%parallel_loop3A_218, %parallel_loop3A_219] {strides = array<i32>} : memref<200x128xi32, #tpu.memory_space<vmem>>, vector<16xi32>,
      %parallel_loop3A_221 = arith.sitofp %parallel_loop3A_220 : vector<16xi32> to vector<16xf32>
      %parallel_loop3A_222 = arith.mulf %parallel_loop3A_221, %mul3A_8 : vector<16xf32>
      %parallel_loop3A_223 = arith.fptosi %parallel_loop3A_222 : vector<16xf32> to vector<16xi32>
      %parallel_loop3A_224 = arith.muli %parallel_loop3A_223, %gather3A : vector<16xi32>
      %parallel_loop3A_225 = arith.subi %parallel_loop3A_220, %parallel_loop3A_224 : vector<16xi32>
      %parallel_loop3A_226 = vector.bitcast %parallel_loop3A_225 : vector<16xi32> to vector<16xi32>
      %parallel_loop3A_227 = arith.subi %parallel_loop3A_226, %bitcast3A : vector<16xi32>
      %parallel_loop3A_228 = arith.minui %parallel_loop3A_226, %parallel_loop3A_227 : vector<16xi32>
      %parallel_loop3A_229 = arith.subi %parallel_loop3A_228, %bitcast3A : vector<16xi32>
      %parallel_loop3A_230 = arith.minui %parallel_loop3A_228, %parallel_loop3A_229 : vector<16xi32>
      %parallel_loop3A_231 = vector.bitcast %parallel_loop3A_230 : vector<16xi32> to vector<16xi32>
      %parallel_loop3A_232 = arith.index_cast %parallel_loop3A_98 : i32 to index
      %parallel_loop3A_233 = arith.constant 112 : index
      %parallel_loop3A_234 = tpu.vector_load %arg7[%parallel_loop3A_232, %parallel_loop3A_233] {strides = array<i32>} : memref<200x128xi32, #tpu.memory_space<vmem>>, vector<16xi32>,
      tpu.vector_store %arg7[%parallel_loop3A_232, %parallel_loop3A_233], %parallel_loop3A_231 {strides = array<i32>} : memref<200x128xi32, #tpu.memory_space<vmem>>, vector<16xi32>,
    } {sc.loop_unroll_factor = 2 : i64, sc.parallel_access}
    %add3A_84 = arith.constant 384 : i32
    %add3A_85 = arith.addi %mul3A_2, %add3A_84 : i32
    %dma_start3A_86 = arith.constant 0 : i32
    %dma_start3A_87 = tpu.memref_slice %arg5[%dma_start3A_86, %add3A_85] : memref<200x16384xi32, #tpu.memory_space<hbm>> -> memref<200x128xi32, #tpu.memory_space<hbm>>
    %dma_start3A_88 = arith.constant 0 : i32
    %dma_start3A_89 = tpu.memref_slice %arg5[%dma_start3A_88, %add3A_85] : memref<200x16384xi32, #tpu.memory_space<hbm>> -> memref<200x128xi32, #tpu.memory_space<hbm>>
    tpu.enqueue_dma source(%arg7 : memref<200x128xi32, #tpu.memory_space<vmem>>) target(%dma_start3A_89 : memref<200x128xi32, #tpu.memory_space<hbm>>) target_semaphore(%arg13 : memref<!tpu.dma_semaphore, #tpu.memory_space<semaphore_mem>>)
    %dma_wait3A_90 = arith.constant 0 : i32
    %dma_wait3A_91 = tpu.memref_slice %arg5[%dma_wait3A_90, %add3A_72] : memref<200x16384xi32, #tpu.memory_space<hbm>> -> memref<200x128xi32, #tpu.memory_space<hbm>>
    %dma_wait3A_92 = arith.constant 0 : i32
    %dma_wait3A_93 = tpu.memref_slice %arg5[%dma_wait3A_92, %add3A_72] : memref<200x16384xi32, #tpu.memory_space<hbm>> -> memref<200x128xi32, #tpu.memory_space<hbm>>
    tpu.wait_dma2 semaphore(%arg12 : memref<!tpu.dma_semaphore, #tpu.memory_space<semaphore_mem>>) src(%arg6 : memref<200x128xi32, #tpu.memory_space<vmem>>) dst(%dma_wait3A_93 : memref<200x128xi32, #tpu.memory_space<hbm>>)
    %dma_wait3A_94 = arith.constant 0 : i32
    %dma_wait3A_95 = tpu.memref_slice %arg5[%dma_wait3A_94, %add3A_85] : memref<200x16384xi32, #tpu.memory_space<hbm>> -> memref<200x128xi32, #tpu.memory_space<hbm>>
    %dma_wait3A_96 = arith.constant 0 : i32
    %dma_wait3A_97 = tpu.memref_slice %arg5[%dma_wait3A_96, %add3A_85] : memref<200x16384xi32, #tpu.memory_space<hbm>> -> memref<200x128xi32, #tpu.memory_space<hbm>>
    tpu.wait_dma2 semaphore(%arg13 : memref<!tpu.dma_semaphore, #tpu.memory_space<semaphore_mem>>) src(%arg7 : memref<200x128xi32, #tpu.memory_space<vmem>>) dst(%dma_wait3A_97 : memref<200x128xi32, #tpu.memory_space<hbm>>)
    return
  }
}

</mosaic_0001>

<sc_bundles>
// kernel: kernel.3.cloned.1.call-start
scs
__scs_entry_jumppad:
0x0: {  	(pc) =	sbr.rel $0x88, $3  }
0x1: {  	(tag) =	ssettag $0x0;
	lr =	simm.s32 $0x1  }
0x2: {  	[smem:$0x3F9E] =	sst lr;
	_ =	strace $0xD0000000  }
0x3: {  	_ = 	snop  }
0x4: {  	_ = 	snop  }
0x5: {  	_ = 	snop  }
0x6: {  	_ = 	snop  }
0x7: {  	_ = 	snop  }
__scs_overlays_trampoline_lowered:
0x8: {  	[smem:$0x3FAD] =	sst s0  }
0x9: {  	[smem:$0x3FAE] =	sst s1  }
0xa: {  	[smem:$0x3FAF] =	sst s2  }
0xb: {  	[smem:$0x3FB0] =	sst s3  }
0xc: {  	[smem:$0x3FB1] =	sst s4  }
0xd: {  	[smem:$0x3FB2] =	sst s5  }
0xe: {  	[smem:$0x3FB3] =	sst s6  }
0xf: {  	[smem:$0x3FB4] =	sst s7  }
0x10: {  	[smem:$0x3FB5] =	sst s8  }
0x11: {  	[smem:$0x3FB6] =	sst s9;
	s0 =	simm.s32 @!p0 $0x0  }
0x12: {  	s1 =	sld [smem:$0x3F9C];
	s0 =	simm.s32 @p0 $0x1  }
0x13: {  	[smem:$0x3FB7] =	sst s0;
	s0 =	simm.s32 @!p1 $0x0  }
0x14: {  	s2 =	sld [smem:$0x3F9B];
	s0 =	simm.s32 @p1 $0x1  }
0x15: {  	[smem:$0x3FB8] =	sst s0;
	s0 =	simm.s32 @!p2 $0x0  }
0x16: {  	s3 =	sld [smem:$0x3FDB];
	s0 =	simm.s32 @p2 $0x1  }
0x17: {  	s4 =	simm.s32 $0x1BF5;
	[smem:$0x3FBA] =	sst s0  }
0x18: {  	s0 =	sld [smem:$0x3F9D];
	_ =	swait.ge [sflag:s4], $0x0  }
0x19: {  	s7 =	sld [smem:$0x3F9E]  }
0x1a: {  	s8 =	sadd.s32 $0xFFFFE003, lr  }
0x1b: {  	s9 =	sadd.s32 $0xFFFFFEF7, lr;
	s5 =	simm.s32 $0xFFFFFFFF;
	p2 =	slt.u32 s8, $0xFFFFF086  }
0x1c: {  	p1 =	slt.u32 s9, $0xF7A;
	s5 =	simm.s32 @!p2 $0x0  }
0x1d: {  	s5 =	simm.s32 @p1 $0x1;
	p0 =	seq.s32 s7, s2  }
0x1e: {  	s7 =	smul.u32 @!p0 $0xF7A, s2;
	p2 =	seq.s32 @!p0 s5, $0x0  }
0x1f: {  	s9 =	smul.u32 $0xF7A, s1;
	s8 =	simm.s32 @!p0 $0x1BF5;
	p2 =	por !p2, p0  }
0x20: {  	[sflag:s8] =	ssyncset.s32 @!p0 $0xFFFFF086;
	s6 =	sadd.s32 @!p0 s3, s7;
	s7 =	simm.s32 @!p0 $0x108  }
0x21: {  	s3 =	sadd.s32 s3, s9;
	s6 =	sadd.s32 @!p0 $0x88, s6;
	s7 =	simm.s32 @p2 $0x1082  }
0x22: {  	[simem:s7], [sflag:s8] =	dma.local @!p0 [hbm:s6], $0xF7A  }
0x23: {  	s9 =	sor.u32 $0xD0000000, s2;
	s6 =	simm.s32 $0x108;
	_ =	swait.ge @!p0 [sflag:s8], $0x0  }
0x24: {  	s3 =	sadd.s32 $0x88, s3;
	s6 =	simm.s32 @!p1 $0x1082;
	[sflag:s4] =	ssyncset.s32 $0xFFFFF086  }
0x25: {  	[simem:s6], [sflag:s4] =	dma.local [hbm:s3], $0xF7A  }
0x26: {  	[smem:$0x3F9E] =	sst s1;
	(tag) =	ssettag s2;
	_ =	strace s9  }
0x27: {  	s1 =	sld [smem:$0x3FAE]  }
0x28: {  	s2 =	sld [smem:$0x3FAF]  }
0x29: {  	s4 =	sld [smem:$0x3FB1]  }
0x2a: {  	p0 =	seq.s32 s5, $0x0;
	s5 =	sld [smem:$0x3FB2]  }
0x2b: {  	s6 =	sld [smem:$0x3FB3]  }
0x2c: {  	s7 =	sld [smem:$0x3FB4]  }
0x2d: {  	s3 =	simm.s32 $0x108;
	s8 =	sld [smem:$0x3FB5]  }
0x2e: {  	s3 =	simm.s32 @!p0 $0x1082;
	s9 =	sld [smem:$0x3FB6]  }
0x2f: {  	lr =	sadd.s32 s0, s3;
	s0 =	sld [smem:$0x3FAD]  }
0x30: {  	s3 =	sld [smem:$0x3FB0]  }
0x31: {  	[smem:$0x3FB9] =	sst s10  }
0x32: {  	s10 =	sld [smem:$0x3FB7];
	_ =	sdelay $0x3  }
0x33: {  	p0 =	seq.s32 s10, $0x1;
	s10 =	sld [smem:$0x3FB9];
	_ =	sdelay $0x3  }
0x34: {  	[smem:$0x3FB9] =	sst s10  }
0x35: {  	s10 =	sld [smem:$0x3FB8];
	_ =	sdelay $0x3  }
0x36: {  	p1 =	seq.s32 s10, $0x1;
	s10 =	sld [smem:$0x3FB9];
	_ =	sdelay $0x3  }
0x37: {  	[smem:$0x3FB9] =	sst s10  }
0x38: {  	s10 =	sld [smem:$0x3FBA]  }
0x39: {  	_ = 	snop;
	(pc) =	sbr.ind lr, $3  }
0x3a: {  	_ = 	snop  }
0x3b: {  	_ = 	snop  }
0x3c: {  	p2 =	seq.s32 s10, $0x1;
	s10 =	sld [smem:$0x3FB9]  }
0x3d: {  	_ =	shalt  }
0x3e: {  	_ =	shalt  }
0x3f: {  	_ =	shalt  }
0x40: {  	_ =	shalt  }
0x41: {  	_ =	shalt  }
0x42: {  	_ =	shalt  }
0x43: {  	_ =	shalt  }
0x44: {  	_ =	shalt  }
0x45: {  	_ =	shalt  }
0x46: {  	_ =	shalt  }
0x47: {  	_ =	shalt  }
0x48: {  	_ =	shalt  }
0x49: {  	_ =	shalt  }
0x4a: {  	_ =	shalt  }
0x4b: {  	_ =	shalt  }
0x4c: {  	_ =	shalt  }
0x4d: {  	_ =	shalt  }
0x4e: {  	_ =	shalt  }
0x4f: {  	_ =	shalt  }
0x50: {  	_ =	shalt  }
0x51: {  	_ =	shalt  }
0x52: {  	_ =	shalt  }
0x53: {  	_ =	shalt  }
0x54: {  	_ =	shalt  }
0x55: {  	_ =	shalt  }
0x56: {  	_ =	shalt  }
0x57: {  	_ =	shalt  }
0x58: {  	_ =	shalt  }
0x59: {  	_ =	shalt  }
0x5a: {  	_ =	shalt  }
0x5b: {  	_ =	shalt  }
0x5c: {  	_ =	shalt  }
0x5d: {  	_ =	shalt  }
0x5e: {  	_ =	shalt  }
0x5f: {  	_ =	shalt  }
0x60: {  	_ =	shalt  }
0x61: {  	_ =	shalt  }
0x62: {  	_ =	shalt  }
0x63: {  	_ =	shalt  }
0x64: {  	_ =	shalt  }
0x65: {  	_ =	shalt  }
0x66: {  	_ =	shalt  }
0x67: {  	_ =	shalt  }
0x68: {  	_ =	shalt  }
0x69: {  	_ =	shalt  }
0x6a: {  	_ =	shalt  }
0x6b: {  	_ =	shalt  }
0x6c: {  	_ =	shalt  }
0x6d: {  	_ =	shalt  }
0x6e: {  	_ =	shalt  }
0x6f: {  	_ =	shalt  }
0x70: {  	_ =	shalt  }
0x71: {  	_ =	shalt  }
0x72: {  	_ =	shalt  }
0x73: {  	_ =	shalt  }
0x74: {  	_ =	shalt  }
0x75: {  	_ =	shalt  }
0x76: {  	_ =	shalt  }
0x77: {  	_ =	shalt  }
0x78: {  	_ =	shalt  }
0x79: {  	_ =	shalt  }
0x7a: {  	_ =	shalt  }
0x7b: {  	_ =	shalt  }
0x7c: {  	_ =	shalt  }
0x7d: {  	_ =	shalt  }
0x7e: {  	_ =	shalt  }
0x7f: {  	_ =	shalt  }
0x80: {  	_ =	shalt  }
0x81: {  	_ =	shalt  }
0x82: {  	_ =	shalt  }
0x83: {  	_ =	shalt  }
0x84: {  	_ =	shalt  }
0x85: {  	_ =	shalt  }
0x86: {  	_ =	shalt  }
0x87: {  	_ =	shalt  }
.Lfunc_end0:
.L_simem_size_0:
called_computation_lowered:
.L_overlay_start_0:
0x88: {  	s2 =	sld [smem:$0x3FD9]  }
0x89: {  	s3 =	sld [smem:$0x3FFE];
	_ =	sdelay $0x1  }
0x8a: {  	s1 =	srdreg.scid  }
0x8b: {  	s0 =	sand.u32 $0x1, s1  }
0x8c: {  	s17 =	sshll.u32 s0, $0xA;
	s2 =	sadd.s32 s3, s2  }
0x8d: {  	s2 =	sadd.s32 s2, s17  }
0x8e: {  	[smem:$0x3FC5] =	sst s2  }
0x8f: {  	_ = 	snop  }
0x90: {  	s2 =	sld [smem:$0x3FC9]  }
0x91: {  	s18 =	sld [smem:$0x3FC7]  }
0x92: {  	s4 =	sld [smem:$0x3FD0];
	(tm) =	ssettm $0x1  }
0x93: {  	s5 =	sld [smem:$0x3FFB];
	_ =	sdelay $0x3  }
0x94: {  	_ =	strace s5  }
0x95: {  	s5 =	sld [smem:$0x3FFC];
	_ =	sdelay $0x3  }
0x96: {  	_ =	strace s5  }
0x97: {  	s5 =	sld [smem:$0x3FFD];
	_ =	sdelay $0x3  }
0x98: {  	_ =	strace s5  }
0x99: {  	_ =	strace $0x8FFFFFFF  }
0x9a: {  	s19 =	sld [smem:$0x3FDB];
	_ =	sdelay $0x1  }
0x9b: {  	s6 =	simm.s32 $_scs_section_size  }
0x9c: {  	s7 =	simm.s32 $_size__tile_overlayer_lowered;
	s8 =	simm.s32 $_tile_overlayer_lowered  }
0x9d: {  	s22 =	simm.s32 $0x1BFF;
	s21 =	sshll.u32 s8, $0x1;
	s5 =	sadd.s32 s6, s19  }
0x9e: {  	s9 =	simm.s32 $0x0;
	s20 =	sshll.u32 s7, $0x1;
	s7 =	sadd.s32 s21, s5  }
0x9f: {  	[timem:s9], [sflag:s22] =	dma.local [hbm:s7], s20  }
0xa0: {  	_ =	swait.ge [sflag:s22], s20  }
0xa1: {  	s6 =	ssub.s32 $0x0, s20;
	[sflag:s22] =	ssyncset.done $0x0  }
0xa2: {  	[sflag:s22] =	ssyncadd.s32 s6;
	_ =	sdelay $0x1  }
0xa3: {  	s23 =	simm.s32 $0x1B8B  }
0xa4: {  	_ =	swait.ge [sflag:s23], $0x1  }
0xa5: {  	[sflag:s23] =	ssyncset.done $0x0  }
0xa6: {  	s25 =	simm.s32 $0x1B8E;
	s24 =	sld [smem:$0x3FFE];
	[sflag:s23] =	ssyncadd.s32 $0xFFFFFFFF  }
0xa7: {  	s26 =	simm.s32 $execute0_lowered;
	[smem:$0x3FD2] =	sst s25  }
0xa8: {  	s7 =	sshll.u32 s26, $0x1;
	_ =	strace $0x80000046;
	[dreg:$0x1] =	wrdreg $0xFFFFFFFF  }
0xa9: {  	s28 =	simm.s32 $_size_execute0_lowered;
	s5 =	sadd.s32 s5, s7;
	[dreg:$0x0] =	wrdreg $0x0  }
0xaa: {  	s7 =	sshll.u32 s28, $0x1;
	[dreg:$0x2] =	wrdreg s5  }
0xab: {  	[dreg:$0x3] =	wrdreg s7  }
0xac: {  	[dreg:$0x4] =	wrdreg $0xC0  }
0xad: {  	_ =	task [dreg:s9], $0x5FFFF  }
0xae: {  	[dreg:$0x1] =	wrdreg $0xFFFFFFFF  }
0xaf: {  	[dreg:$0x0] =	wrdreg $0x60  }
0xb0: {  	[dreg:$0x2] =	wrdreg s2  }
0xb1: {  	[dreg:$0x3] =	wrdreg s24  }
0xb2: {  	[dreg:$0x4] =	wrdreg s18  }
0xb3: {  	[dreg:$0x5] =	wrdreg s4  }
0xb4: {  	[dreg:$0x6] =	wrdreg $0x9  }
0xb5: {  	_ =	task.clear_ibuf [dreg:s9], $0x7FFFF;
	_ =	strace $0x90000046  }
0xb6: {  	s29 =	simm.s32 $0x9;
	_ =	strace $0x80000048  }
0xb7: {  	_ =	swait.ge [sflag:s29], $0x1  }
0xb8: {  	[sflag:s29] =	ssyncadd.s32 $0xFFFFFFFF  }
0xb9: {  	_ =	strace $0x90000048  }
0xba: {  	_ =	sfence  }
0xbb: {  	s30 =	sld [smem:$0x0];
	_ =	sdelay $0x2  }
0xbc: {  	s31 =	sshll.u32 s1, $0xD;
	s1 =	sshrl.u32 s1, $0x2  }
0xbd: {  	s3 =	sand.u32 $0x4000, s31;
	s1 =	sadd.s32 s1, s30  }
0xbe: {  	s0 =	sor.u32 s3, s0;
	s1 =	sshll.u32 s1, $0x11  }
0xbf: {  	s0 =	sor.u32 s1, s0  }
0xc0: {  	s0 =	sadd.s32 $0x8F2B, s0  }
0xc1: {  	[sflag:s0] =	ssyncadd.remote.s32 $0x1  }
0xc2: {  	_ =	sfence.sel $0xFFFF  }
0xc3: {  	[dreg:$0x0] =	wrdreg $0xFFFFFFFF;
	(pc) =	sbr.abs _section_cstart, $3  }
0xc4: {  	[dreg:$0x1] =	wrdreg $0xFFFFFFFF  }
0xc5: {  	_ =	task.clear_ibuf [dreg:s9], $0x2FFFF;
	_ =	strace $0x9FFFFFFF  }
0xc6: {  	(tm) =	ssettm $0x7FFFFFFF  }
0xc7: {  	_ =	shalt  }
tec
execute0_lowered:
.L_overlay_start_1:
0x0: {  	(tag) =	ssettag $0x1  }
0x1: {  	s10 =	rddreg [dreg:$0x0]  }
0x2: {  	s4 =	rddreg [dreg:$0x1]  }
0x3: {  	s1 =	rddreg [dreg:$0x2]  }
0x4: {  	s12 =	rddreg [dreg:$0x3]  }
0x5: {  	s0 =	rddreg [dreg:$0x4]  }
0x6: {  	s3 =	simm.s32 $0x0;
	s5 =	srdreg.scid;
	s2 =	stileid.u32  }
0x7: {  	s16 =	simm.s32 $0xC880;
	s17 =	simm.s32 $0x400;
	s18 =	simm.s32 $0x20000  }
0x8: {  	s19 =	simm.s32 $0x6400;
	s20 =	simm.s32 $0x1;
	s21 =	simm.s32 $0x3  }
0x9: {  	s22 =	simm.s32 $0x2;
	s23 =	simm.s32 $0x4;
	s24 =	simm.s32 $0x0  }
0xa: {  	[smem:$0x7FF] =	sst s3;
	s5 =	sand.u32 $0x1, s5;
	s7 =	sshll.u32 s2, $0xA  }
0xb: {  	s4 =	sadd.s32 $0x400, s4;
	s6 =	ssub.s32 $0x2, s5;
	s5 =	sshll.u32 s5, $0x9  }
0xc: {  	_ =	strace $0x80000047;
	s8 =	sshrl.u32 s6, $0x1;
	s11 =	sor.u32 s5, s7  }
0xd: {  	s13 =	ssub.s32 s6, s8;
	s5 =	sadd.s32 s10, s11;
	s9 =	sor.u32 $0x80, s11  }
0xe: {  	s7 =	sadd.s32 s12, s11;
	s14 =	sor.u32 $0x100, s11;
	s15 =	sor.u32 $0x180, s11  }
0xf: {  	s6 =	sadd.s32 s10, s9;
	s8 =	sadd.s32 s10, s14;
	s9 =	sadd.s32 s12, s9  }
0x10: {  	s10 =	sadd.s32 s10, s15;
	s11 =	sadd.s32 s12, s14;
	s12 =	sadd.s32 s12, s15  }
0x11: {  	s13 =	smax.u32 s13, $0x1;
	s14 =	simm.s32 $0xC800;
	s15 =	simm.s32 $0x5  }
.LBB2_1:
0x12: {  	[tilespmem:s14], [sflag:$0x5] =	stream.linear.gather [hbm4b:s4+s3], $0x80, $0x38;
	[tilespmem:$0xC900] =	vst v63  }
0x13: {  	_ =	swait.ge [sflag:s15], $0x80  }
0x14: {  	[sflag:s15] =	ssyncset.done $0x0  }
0x15: {  	[sflag:s15] =	ssyncadd.s32 $0xFFFFFF80  }
0x16: {  	[tilespmem:s16], [sflag:$0x5] =	stream.linear.gather [hbm4b:s1+s3], $0x80, $0x38;
	[tilespmem:$0xC900] =	vst v63  }
0x17: {  	_ =	swait.ge [sflag:s15], $0x80  }
0x18: {  	[sflag:s15] =	ssyncset.done $0x0  }
0x19: {  	[sflag:s15] =	ssyncadd.s32 $0xFFFFFF80  }
0x1a: {  	v0 =	vld [tilespmem:$0xC800];
	_ =	sdelay $0x7  }
0x1b: {  	v0 =	vld.idx.msk [tilespmem:v0+s16+$0x0], $0xffff;
	_ =	sdelay $0x4  }
0x1c: {  	v1 =	vcvt.s32.f32 v0;
	_ =	sdelay $0x1  }
0x1d: {  	(erf) = vrcp.f32 v1;
	_ =	sdelay $0x6  }
0x1e: {  	[tilespmem:s3], [sflag:$0x1] =	stream.strided.gather [hbm4b:s5+s17], $0x6400, s18, s17, $0x38;
	[tilespmem:$0xC900] =	vst v63  }
0x1f: {  	_ = 	snop  }
0x20: {  	[tilespmem:s19], [sflag:$0x2] =	stream.strided.gather [hbm4b:s6+s17], $0x6400, s18, s17, $0x38;
	v1 =	vpop (erf);
	[tilespmem:$0xC900] =	vst v63  }
0x21: {  	_ =	swait.ge [sflag:s20], $0x6400  }
0x22: {  	[sflag:s20] =	ssyncset.done $0x0  }
0x23: {  	s25 =	simm.s32 $0x80;
	[sflag:s20] =	ssyncadd.s32 $0xFFFF9C00  }
0x24: {  	v2 =	vld [tilespmem:s25+$0x70]  }
0x25: {  	v3 =	vld [tilespmem:s25+$0xFFFFFF90]  }
0x26: {  	v4 =	vld [tilespmem:s25+$0xFFFFFFA0]  }
0x27: {  	v5 =	vld [tilespmem:s25+$0xFFFFFFB0]  }
0x28: {  	v6 =	vld [tilespmem:s25+$0xFFFFFFC0]  }
0x29: {  	v7 =	vld [tilespmem:s25+$0xFFFFFFD0]  }
0x2a: {  	v10 =	vld [tilespmem:s25+$0xFFFFFFE0]  }
0x2b: {  	v12 =	vld [tilespmem:s25+$0xFFFFFFF0]  }
0x2c: {  	v13 =	vld [tilespmem:s25+$0x0]  }
0x2d: {  	v16 =	vld [tilespmem:s25+$0x10]  }
0x2e: {  	v18 =	vld [tilespmem:s25+$0x20]  }
0x2f: {  	v19 =	vld [tilespmem:s25+$0x30]  }
0x30: {  	v1 =	vmul.f32 $9.999995230e-01, v1;
	v21 =	vld [tilespmem:s25+$0x40];
	v8 =	vcvt.s32.f32 v2  }
0x31: {  	v23 =	vld [tilespmem:s25+$0x50];
	v9 =	vcvt.s32.f32 v3;
	v11 =	vcvt.s32.f32 v4  }
0x32: {  	v25 =	vld [tilespmem:s25+$0x60];
	v14 =	vcvt.s32.f32 v5;
	v15 =	vcvt.s32.f32 v6  }
0x33: {  	v27 =	vld [tilespmem:s25+$0xFFFFFF80];
	v17 =	vcvt.s32.f32 v7;
	v20 =	vcvt.s32.f32 v10  }
0x34: {  	v22 =	vcvt.s32.f32 v12;
	v24 =	vcvt.s32.f32 v13  }
0x35: {  	v26 =	vcvt.s32.f32 v16;
	v28 =	vcvt.s32.f32 v18  }
0x36: {  	v29 =	vcvt.s32.f32 v19;
	v30 =	vcvt.s32.f32 v21  }
0x37: {  	v31 =	vcvt.s32.f32 v23;
	v32 =	vcvt.s32.f32 v25  }
0x38: {  	v33 =	vcvt.s32.f32 v27;
	v8 =	vmul.f32 v8, v1  }
0x39: {  	v9 =	vmul.f32 v9, v1;
	v11 =	vmul.f32 v11, v1  }
0x3a: {  	v14 =	vmul.f32 v14, v1;
	v15 =	vmul.f32 v15, v1  }
0x3b: {  	v17 =	vmul.f32 v17, v1;
	v20 =	vmul.f32 v20, v1  }
0x3c: {  	v22 =	vmul.f32 v22, v1;
	v24 =	vmul.f32 v24, v1  }
0x3d: {  	v26 =	vmul.f32 v26, v1;
	v28 =	vmul.f32 v28, v1  }
0x3e: {  	v29 =	vmul.f32 v29, v1;
	v30 =	vmul.f32 v30, v1  }
0x3f: {  	v31 =	vmul.f32 v31, v1;
	v33 =	vmul.f32 v33, v1  }
0x40: {  	v32 =	vmul.f32 v32, v1;
	v8 =	vtrunc.f32 v8  }
0x41: {  	v9 =	vtrunc.f32 v9;
	v11 =	vtrunc.f32 v11  }
0x42: {  	v33 =	vtrunc.f32 v33;
	v14 =	vtrunc.f32 v14  }
0x43: {  	v15 =	vtrunc.f32 v15;
	v22 =	vtrunc.f32 v22  }
0x44: {  	v24 =	vtrunc.f32 v24;
	v28 =	vtrunc.f32 v28  }
0x45: {  	v29 =	vtrunc.f32 v29;
	v30 =	vtrunc.f32 v30  }
0x46: {  	v31 =	vtrunc.f32 v31;
	v8 =	vcvt.f32.s32 v8  }
0x47: {  	v53 =	vcvt.f32.s32 v33;
	v9 =	vcvt.f32.s32 v9  }
0x48: {  	v11 =	vcvt.f32.s32 v11;
	v14 =	vcvt.f32.s32 v14  }
0x49: {  	v15 =	vcvt.f32.s32 v15;
	v22 =	vcvt.f32.s32 v22  }
0x4a: {  	v24 =	vcvt.f32.s32 v24;
	v55 =	vcvt.f32.s32 v28  }
0x4b: {  	v56 =	vcvt.f32.s32 v29;
	v57 =	vcvt.f32.s32 v30  }
0x4c: {  	v58 =	vcvt.f32.s32 v31;
	v8 =	vmul.u32 v8, v0;
	v9 =	vmul.u32 v9, v0  }
0x4d: {  	v11 =	vmul.u32 v11, v0;
	v14 =	vmul.u32 v14, v0;
	v15 =	vmul.u32 v15, v0  }
0x4e: {  	v22 =	vmul.u32 v22, v0;
	v24 =	vmul.u32 v24, v0;
	v28 =	vmul.u32 v56, v0  }
0x4f: {  	v29 =	vmul.u32 v57, v0;
	v30 =	vmul.u32 v58, v0;
	v2 =	vsub.s32 v2, v8  }
0x50: {  	v8 =	vtrunc.f32 v17;
	v17 =	vtrunc.f32 v20;
	v60 =	vsub.s32 v3, v9  }
0x51: {  	v11 =	vsub.s32 v4, v11;
	v14 =	vsub.s32 v5, v14;
	v34 =	vsub.s32 v6, v15  }
0x52: {  	v37 =	vsub.s32 v12, v22;
	v24 =	vsub.s32 v13, v24;
	v5 =	vsub.s32 v21, v29  }
0x53: {  	v4 =	vsub.s32 v23, v30;
	v20 =	vsub.s32 v2, v0;
	v8 =	vcvt.f32.s32 v8  }
0x54: {  	v17 =	vcvt.f32.s32 v17;
	v13 =	vsub.s32 v60, v0;
	v15 =	vsub.s32 v11, v0  }
0x55: {  	v62 =	vsub.s32 v37, v0;
	v63 =	vsub.s32 v24, v0;
	v9 =	vsub.s32 v4, v0  }
0x56: {  	v2 =	vmin.u32 v2, v20;
	v20 =	vtrunc.f32 v26;
	v26 =	vmul.u32 v53, v0  }
0x57: {  	v13 =	vmin.u32 v60, v13;
	v15 =	vmin.u32 v11, v15;
	v11 =	vmin.u32 v24, v63  }
0x58: {  	v54 =	vsub.s32 v2, v0;
	v20 =	vcvt.f32.s32 v20;
	v8 =	vmul.u32 v8, v0  }
0x59: {  	v17 =	vmul.u32 v17, v0;
	v33 =	vmin.u32 v2, v54;
	v2 =	vtrunc.f32 v32  }
0x5a: {  	v26 =	vsub.s32 v27, v26;
	v27 =	vmul.u32 v55, v0;
	v2 =	vcvt.f32.s32 v2  }
0x5b: {  	v20 =	vmul.u32 v20, v0;
	v35 =	vsub.s32 v7, v8;
	v36 =	vsub.s32 v10, v17  }
0x5c: {  	v8 =	vsub.s32 v26, v0;
	v10 =	vsub.s32 v5, v0;
	v6 =	vsub.s32 v18, v27  }
0x5d: {  	v23 =	vsub.s32 v35, v0;
	v61 =	vsub.s32 v36, v0;
	v12 =	vmin.u32 v26, v8  }
0x5e: {  	v59 =	vmul.u32 v2, v0;
	v7 =	vsub.s32 v16, v20;
	v2 =	vsub.s32 v19, v28  }
0x5f: {  	v16 =	vsub.s32 v14, v0;
	v19 =	vsub.s32 v34, v0;
	v18 =	vsub.s32 v6, v0  }
0x60: {  	v21 =	vsub.s32 v7, v0;
	v17 =	vsub.s32 v2, v0;
	v20 =	vmin.u32 v14, v16  }
0x61: {  	v22 =	vmin.u32 v34, v19;
	v19 =	vmin.u32 v35, v23;
	v3 =	vsub.s32 v25, v59  }
0x62: {  	s26 =	simm.s32 $0x0;
	s28 =	simm.s32 $0x180;
	[tilespmem:s25+$0x70] =	vst v33;
	v16 =	vmin.u32 v36, v61;
	v14 =	vmin.u32 v37, v62;
	v8 =	vsub.s32 v3, v0  }
.LBB2_2:
0x63: {  	v25 =	vld [tilespmem:s28+$0x70];
	s26 =	sadd.s32 $0x2, s26;
	v26 =	vmin.u32 v7, v21;
	v27 =	vmin.u32 v6, v18;
	v24 =	vmin.u32 v2, v17  }
0x64: {  	v23 =	vmin.u32 v5, v10;
	v21 =	vmin.u32 v4, v9;
	v18 =	vmin.u32 v3, v8;
	v2 =	vld [tilespmem:s28+$0xFFFFFF90];
	p0 =	slt.u32 s26, $0xC6  }
0x65: {  	v17 =	vsub.s32 v12, v0;
	v28 =	vsub.s32 v13, v0;
	v29 =	vsub.s32 v15, v0;
	v3 =	vld [tilespmem:s28+$0xFFFFFFA0]  }
0x66: {  	v30 =	vsub.s32 v20, v0;
	v31 =	vsub.s32 v22, v0;
	v32 =	vsub.s32 v19, v0;
	v4 =	vld [tilespmem:s28+$0xFFFFFFB0]  }
0x67: {  	v33 =	vsub.s32 v16, v0;
	v34 =	vsub.s32 v14, v0;
	v35 =	vsub.s32 v11, v0;
	v5 =	vld [tilespmem:s28+$0xFFFFFFC0]  }
0x68: {  	v36 =	vsub.s32 v26, v0;
	v37 =	vsub.s32 v27, v0;
	v6 =	vld [tilespmem:s28+$0xFFFFFFD0];
	v9 =	vcvt.s32.f32 v25  }
0x69: {  	v38 =	vsub.s32 v24, v0;
	v39 =	vsub.s32 v23, v0;
	v10 =	vcvt.s32.f32 v2;
	v7 =	vld [tilespmem:s28+$0xFFFFFFE0]  }
0x6a: {  	v42 =	vsub.s32 v21, v0;
	v40 =	vcvt.s32.f32 v3;
	v8 =	vld [tilespmem:s28+$0xFFFFFFF0];
	v41 =	vmul.f32 v9, v1  }
0x6b: {  	v45 =	vsub.s32 v18, v0;
	v43 =	vmul.f32 v10, v1;
	v44 =	vcvt.s32.f32 v4;
	v9 =	vld [tilespmem:s28+$0x0]  }
0x6c: {  	v17 =	vmin.u32 v12, v17;
	v46 =	vcvt.s32.f32 v5;
	v10 =	vld [tilespmem:s28+$0x10];
	v41 =	vtrunc.f32 v41  }
0x6d: {  	v47 =	vcvt.s32.f32 v6;
	v12 =	vld [tilespmem:s28+$0x20];
	v41 =	vcvt.f32.s32 v41;
	[tilespmem:s25+$0xFFFFFF80] =	vst v17;
	v17 =	vmin.u32 v13, v28  }
0x6e: {  	v28 =	vmul.f32 v40, v1;
	v40 =	vcvt.s32.f32 v7;
	v13 =	vld [tilespmem:s28+$0x30];
	[tilespmem:s25+$0xFFFFFF90] =	vst v17;
	v17 =	vmin.u32 v15, v29  }
0x6f: {  	v29 =	vmul.f32 v44, v1;
	v44 =	vcvt.s32.f32 v8;
	v15 =	vld [tilespmem:s28+$0x40];
	v41 =	vmul.u32 v41, v0;
	[tilespmem:s25+$0xFFFFFFA0] =	vst v17  }
0x70: {  	v30 =	vmin.u32 v20, v30;
	v46 =	vmul.f32 v46, v1;
	v48 =	vcvt.s32.f32 v9;
	v17 =	vld [tilespmem:s28+$0x50]  }
0x71: {  	v47 =	vmul.f32 v47, v1;
	v49 =	vcvt.s32.f32 v10;
	v20 =	vld [tilespmem:s28+$0x60];
	v25 =	vsub.s32 v25, v41;
	[tilespmem:s25+$0xFFFFFFB0] =	vst v30  }
0x72: {  	v40 =	vmul.f32 v40, v1;
	v30 =	vld [tilespmem:s28+$0xFFFFFF80];
	v41 =	vcvt.s32.f32 v12;
	v50 =	vsub.s32 v25, v0  }
0x73: {  	v44 =	vmul.f32 v44, v1;
	v51 =	vcvt.s32.f32 v13;
	v25 =	vmin.u32 v25, v50  }
0x74: {  	v48 =	vmul.f32 v48, v1;
	v50 =	vcvt.s32.f32 v15;
	v52 =	vsub.s32 v25, v0  }
0x75: {  	v49 =	vmul.f32 v49, v1;
	v53 =	vcvt.s32.f32 v17;
	v25 =	vmin.u32 v25, v52  }
0x76: {  	v22 =	vmin.u32 v22, v31;
	v41 =	vmul.f32 v41, v1;
	v52 =	vcvt.s32.f32 v20;
	[tilespmem:s28+$0x70] =	vst v25  }
0x77: {  	v19 =	vmin.u32 v19, v32;
	v31 =	vmul.f32 v51, v1;
	v25 =	vcvt.s32.f32 v30;
	[tilespmem:s25+$0xFFFFFFC0] =	vst v22  }
0x78: {  	v16 =	vmin.u32 v16, v33;
	v22 =	vmul.f32 v50, v1;
	v32 =	vmul.f32 v53, v1;
	[tilespmem:s25+$0xFFFFFFD0] =	vst v19  }
0x79: {  	v14 =	vmin.u32 v14, v34;
	v19 =	vmul.f32 v25, v1;
	v25 =	vmul.f32 v52, v1;
	[tilespmem:s25+$0xFFFFFFE0] =	vst v16  }
0x7a: {  	v11 =	vmin.u32 v11, v35;
	v28 =	vtrunc.f32 v28;
	v16 =	vtrunc.f32 v43;
	[tilespmem:s25+$0xFFFFFFF0] =	vst v14  }
0x7b: {  	v14 =	vtrunc.f32 v19;
	v19 =	vtrunc.f32 v29;
	[tilespmem:s25+$0x0] =	vst v11;
	v11 =	vmin.u32 v26, v36  }
0x7c: {  	v26 =	vtrunc.f32 v46;
	v29 =	vtrunc.f32 v47;
	[tilespmem:s25+$0x10] =	vst v11;
	v11 =	vmin.u32 v27, v37  }
0x7d: {  	v33 =	vtrunc.f32 v44;
	v27 =	vtrunc.f32 v40;
	[tilespmem:s25+$0x20] =	vst v11;
	v11 =	vmin.u32 v24, v38  }
0x7e: {  	v34 =	vtrunc.f32 v49;
	v24 =	vtrunc.f32 v48;
	[tilespmem:s25+$0x30] =	vst v11;
	v11 =	vmin.u32 v23, v39  }
0x7f: {  	v31 =	vtrunc.f32 v31;
	v23 =	vtrunc.f32 v41;
	[tilespmem:s25+$0x40] =	vst v11;
	v11 =	vmin.u32 v21, v42  }
0x80: {  	v21 =	vtrunc.f32 v22;
	v22 =	vtrunc.f32 v32;
	[tilespmem:s25+$0x50] =	vst v11;
	v11 =	vmin.u32 v18, v45  }
0x81: {  	v14 =	vcvt.f32.s32 v14;
	v18 =	vtrunc.f32 v25;
	[tilespmem:s25+$0x60] =	vst v11;
	s25 =	smov.u32 s28  }
0x82: {  	v11 =	vcvt.f32.s32 v16;
	v16 =	vcvt.f32.s32 v28  }
0x83: {  	v19 =	vcvt.f32.s32 v19;
	v14 =	vmul.u32 v14, v0;
	v25 =	vcvt.f32.s32 v26  }
0x84: {  	v27 =	vcvt.f32.s32 v27;
	v26 =	vcvt.f32.s32 v29;
	v11 =	vmul.u32 v11, v0  }
0x85: {  	v24 =	vcvt.f32.s32 v24;
	v28 =	vcvt.f32.s32 v33;
	v16 =	vmul.u32 v16, v0  }
0x86: {  	v19 =	vmul.u32 v19, v0;
	v23 =	vcvt.f32.s32 v23;
	v29 =	vcvt.f32.s32 v34  }
0x87: {  	v31 =	vcvt.f32.s32 v31;
	v21 =	vcvt.f32.s32 v21;
	v25 =	vmul.u32 v25, v0  }
0x88: {  	v22 =	vcvt.f32.s32 v22;
	v18 =	vcvt.f32.s32 v18;
	v26 =	vmul.u32 v26, v0  }
0x89: {  	v27 =	vmul.u32 v27, v0;
	v24 =	vmul.u32 v24, v0;
	v28 =	vmul.u32 v28, v0  }
0x8a: {  	v31 =	vmul.u32 v31, v0;
	v23 =	vmul.u32 v23, v0;
	v29 =	vmul.u32 v29, v0  }
0x8b: {  	v21 =	vmul.u32 v21, v0;
	v22 =	vmul.u32 v22, v0;
	v18 =	vmul.u32 v18, v0  }
0x8c: {  	v14 =	vsub.s32 v30, v14;
	v11 =	vsub.s32 v2, v11;
	v16 =	vsub.s32 v3, v16  }
0x8d: {  	v19 =	vsub.s32 v4, v19;
	v25 =	vsub.s32 v5, v25;
	v26 =	vsub.s32 v6, v26  }
0x8e: {  	v27 =	vsub.s32 v7, v27;
	v24 =	vsub.s32 v9, v24;
	v28 =	vsub.s32 v8, v28  }
0x8f: {  	v7 =	vsub.s32 v10, v29;
	v6 =	vsub.s32 v12, v23;
	v2 =	vsub.s32 v13, v31  }
0x90: {  	v5 =	vsub.s32 v15, v21;
	v4 =	vsub.s32 v17, v22;
	v3 =	vsub.s32 v20, v18  }
0x91: {  	v12 =	vsub.s32 v14, v0;
	v13 =	vsub.s32 v11, v0;
	v15 =	vsub.s32 v16, v0  }
0x92: {  	v20 =	vsub.s32 v19, v0;
	v22 =	vsub.s32 v25, v0;
	v23 =	vsub.s32 v26, v0  }
0x93: {  	v29 =	vsub.s32 v27, v0;
	v31 =	vsub.s32 v24, v0;
	v30 =	vsub.s32 v28, v0  }
.Ltmp0:
0x94: {  	v21 =	vsub.s32 v7, v0;
	v18 =	vsub.s32 v6, v0;
	v17 =	vsub.s32 v2, v0;
	(pc) =	sbr.rel @p0 .LBB2_2-.Ltmp0, $4  }
0x95: {  	v10 =	vsub.s32 v5, v0;
	v9 =	vsub.s32 v4, v0;
	v8 =	vsub.s32 v3, v0  }
0x96: {  	v12 =	vmin.u32 v14, v12;
	v13 =	vmin.u32 v11, v13;
	v15 =	vmin.u32 v16, v15  }
0x97: {  	v20 =	vmin.u32 v19, v20;
	v22 =	vmin.u32 v25, v22;
	v19 =	vmin.u32 v26, v23  }
0x98: {  	s28 =	sadd.s32 $0x100, s28;
	v16 =	vmin.u32 v27, v29;
	v14 =	vmin.u32 v28, v30;
	v11 =	vmin.u32 v24, v31  }
0x99: {  	v23 =	vsub.s32 v12, v0  }
0x9a: {  	v24 =	vsub.s32 v13, v0;
	v2 =	vmin.u32 v2, v17;
	v12 =	vmin.u32 v12, v23  }
0x9b: {  	v5 =	vmin.u32 v5, v10;
	v10 =	vsub.s32 v2, v0;
	[tilespmem:s25+$0xFFFFFF80] =	vst v12;
	v12 =	vmin.u32 v13, v24  }
0x9c: {  	v23 =	vsub.s32 v15, v0;
	v2 =	vmin.u32 v2, v10;
	[tilespmem:s25+$0xFFFFFF90] =	vst v12  }
0x9d: {  	v13 =	vsub.s32 v20, v0;
	v12 =	vmin.u32 v15, v23;
	[tilespmem:s25+$0x30] =	vst v2  }
0x9e: {  	v15 =	vsub.s32 v22, v0;
	[tilespmem:s25+$0xFFFFFFA0] =	vst v12;
	v12 =	vmin.u32 v20, v13  }
0x9f: {  	v13 =	vsub.s32 v19, v0;
	[tilespmem:s25+$0xFFFFFFB0] =	vst v12;
	v12 =	vmin.u32 v22, v15  }
0xa0: {  	v15 =	vsub.s32 v16, v0;
	[tilespmem:s25+$0xFFFFFFC0] =	vst v12;
	v12 =	vmin.u32 v19, v13  }
0xa1: {  	v13 =	vsub.s32 v14, v0;
	[tilespmem:s25+$0xFFFFFFD0] =	vst v12;
	v12 =	vmin.u32 v16, v15  }
0xa2: {  	v7 =	vmin.u32 v7, v21;
	v15 =	vsub.s32 v11, v0;
	[tilespmem:s25+$0xFFFFFFE0] =	vst v12;
	v12 =	vmin.u32 v14, v13  }
0xa3: {  	v6 =	vmin.u32 v6, v18;
	v13 =	vsub.s32 v7, v0;
	v11 =	vmin.u32 v11, v15;
	[tilespmem:s25+$0xFFFFFFF0] =	vst v12  }
0xa4: {  	v12 =	vsub.s32 v6, v0;
	[tilespmem:s25+$0x0] =	vst v11;
	v7 =	vmin.u32 v7, v13  }
0xa5: {  	v4 =	vmin.u32 v4, v9;
	[tilespmem:s25+$0x10] =	vst v7;
	v6 =	vmin.u32 v6, v12;
	v7 =	vsub.s32 v5, v0  }
0xa6: {  	v3 =	vmin.u32 v3, v8;
	[tilespmem:s25+$0x20] =	vst v6;
	v6 =	vsub.s32 v4, v0;
	v2 =	vmin.u32 v5, v7  }
0xa7: {  	v5 =	vsub.s32 v3, v0;
	[tilespmem:s25+$0x40] =	vst v2;
	v2 =	vmin.u32 v4, v6  }
0xa8: {  	[tilespmem:s25+$0x50] =	vst v2;
	v2 =	vmin.u32 v3, v5  }
0xa9: {  	[tilespmem:s25+$0x60] =	vst v2  }
0xaa: {  	[hbm4b:s7+s17] =	stream.strided.scatter [tilespmem:s3], [sflag:$0x3], $0x6400, s18, s17, $0x38;
	[tilespmem:$0xC900] =	vst v63  }
0xab: {  	_ =	swait.ge [sflag:s21], $0x6400  }
0xac: {  	[sflag:s21] =	ssyncset.done $0x0  }
0xad: {  	[sflag:s21] =	ssyncadd.s32 $0xFFFF9C00  }
0xae: {  	[tilespmem:s3], [sflag:$0x1] =	stream.strided.gather [hbm4b:s8+s17], $0x6400, s18, s17, $0x38;
	[tilespmem:$0xC900] =	vst v63  }
0xaf: {  	_ =	swait.ge [sflag:s22], $0x6400  }
0xb0: {  	[sflag:s22] =	ssyncset.done $0x0  }
0xb1: {  	s25 =	simm.s32 $0x6480;
	[sflag:s22] =	ssyncadd.s32 $0xFFFF9C00  }
0xb2: {  	v2 =	vld [tilespmem:s25+$0x70]  }
0xb3: {  	v3 =	vld [tilespmem:s25+$0xFFFFFF90]  }
0xb4: {  	v4 =	vld [tilespmem:s25+$0xFFFFFFA0]  }
0xb5: {  	v5 =	vld [tilespmem:s25+$0xFFFFFFB0]  }
0xb6: {  	v6 =	vld [tilespmem:s25+$0xFFFFFFC0]  }
0xb7: {  	v7 =	vld [tilespmem:s25+$0xFFFFFFD0]  }
0xb8: {  	v10 =	vld [tilespmem:s25+$0xFFFFFFE0]  }
0xb9: {  	v12 =	vld [tilespmem:s25+$0xFFFFFFF0]  }
0xba: {  	v13 =	vld [tilespmem:s25+$0x0]  }
0xbb: {  	v16 =	vld [tilespmem:s25+$0x10]  }
0xbc: {  	v18 =	vld [tilespmem:s25+$0x20]  }
0xbd: {  	v19 =	vld [tilespmem:s25+$0x30]  }
0xbe: {  	v21 =	vld [tilespmem:s25+$0x40];
	v8 =	vcvt.s32.f32 v2  }
0xbf: {  	v23 =	vld [tilespmem:s25+$0x50];
	v9 =	vcvt.s32.f32 v3;
	v11 =	vcvt.s32.f32 v4  }
0xc0: {  	v25 =	vld [tilespmem:s25+$0x60];
	v14 =	vcvt.s32.f32 v5;
	v15 =	vcvt.s32.f32 v6  }
0xc1: {  	v27 =	vld [tilespmem:s25+$0xFFFFFF80];
	v17 =	vcvt.s32.f32 v7;
	v20 =	vcvt.s32.f32 v10  }
0xc2: {  	v22 =	vcvt.s32.f32 v12;
	v52 =	vcvt.s32.f32 v13  }
0xc3: {  	v26 =	vcvt.s32.f32 v16;
	v28 =	vcvt.s32.f32 v18  }
0xc4: {  	v29 =	vcvt.s32.f32 v19;
	v30 =	vcvt.s32.f32 v21  }
0xc5: {  	v31 =	vcvt.s32.f32 v23;
	v32 =	vcvt.s32.f32 v25  }
0xc6: {  	v33 =	vcvt.s32.f32 v27;
	v8 =	vmul.f32 v8, v1  }
0xc7: {  	v9 =	vmul.f32 v9, v1;
	v11 =	vmul.f32 v11, v1  }
0xc8: {  	v14 =	vmul.f32 v14, v1;
	v15 =	vmul.f32 v15, v1  }
0xc9: {  	v17 =	vmul.f32 v17, v1;
	v20 =	vmul.f32 v20, v1  }
0xca: {  	v22 =	vmul.f32 v22, v1;
	v24 =	vmul.f32 v52, v1  }
0xcb: {  	v26 =	vmul.f32 v26, v1;
	v28 =	vmul.f32 v28, v1  }
0xcc: {  	v29 =	vmul.f32 v29, v1;
	v30 =	vmul.f32 v30, v1  }
0xcd: {  	v31 =	vmul.f32 v31, v1;
	v33 =	vmul.f32 v33, v1  }
0xce: {  	v32 =	vmul.f32 v32, v1;
	v8 =	vtrunc.f32 v8  }
0xcf: {  	v9 =	vtrunc.f32 v9;
	v11 =	vtrunc.f32 v11  }
0xd0: {  	v33 =	vtrunc.f32 v33;
	v14 =	vtrunc.f32 v14  }
0xd1: {  	v15 =	vtrunc.f32 v15;
	v22 =	vtrunc.f32 v22  }
0xd2: {  	v24 =	vtrunc.f32 v24;
	v28 =	vtrunc.f32 v28  }
0xd3: {  	v29 =	vtrunc.f32 v29;
	v30 =	vtrunc.f32 v30  }
0xd4: {  	v31 =	vtrunc.f32 v31;
	v8 =	vcvt.f32.s32 v8  }
0xd5: {  	v53 =	vcvt.f32.s32 v33;
	v9 =	vcvt.f32.s32 v9  }
0xd6: {  	v11 =	vcvt.f32.s32 v11;
	v14 =	vcvt.f32.s32 v14  }
0xd7: {  	v15 =	vcvt.f32.s32 v15;
	v22 =	vcvt.f32.s32 v22  }
0xd8: {  	v24 =	vcvt.f32.s32 v24;
	v55 =	vcvt.f32.s32 v28  }
0xd9: {  	v56 =	vcvt.f32.s32 v29;
	v57 =	vcvt.f32.s32 v30  }
0xda: {  	v58 =	vcvt.f32.s32 v31;
	v8 =	vmul.u32 v8, v0;
	v9 =	vmul.u32 v9, v0  }
0xdb: {  	v11 =	vmul.u32 v11, v0;
	v14 =	vmul.u32 v14, v0;
	v15 =	vmul.u32 v15, v0  }
0xdc: {  	v22 =	vmul.u32 v22, v0;
	v24 =	vmul.u32 v24, v0;
	v28 =	vmul.u32 v56, v0  }
0xdd: {  	v29 =	vmul.u32 v57, v0;
	v30 =	vmul.u32 v58, v0;
	v2 =	vsub.s32 v2, v8  }
0xde: {  	v8 =	vtrunc.f32 v17;
	v17 =	vtrunc.f32 v20;
	v60 =	vsub.s32 v3, v9  }
0xdf: {  	v11 =	vsub.s32 v4, v11;
	v14 =	vsub.s32 v5, v14;
	v34 =	vsub.s32 v6, v15  }
0xe0: {  	v37 =	vsub.s32 v12, v22;
	v24 =	vsub.s32 v13, v24;
	v5 =	vsub.s32 v21, v29  }
0xe1: {  	v4 =	vsub.s32 v23, v30;
	v20 =	vsub.s32 v2, v0;
	v8 =	vcvt.f32.s32 v8  }
0xe2: {  	v17 =	vcvt.f32.s32 v17;
	v13 =	vsub.s32 v60, v0;
	v15 =	vsub.s32 v11, v0  }
0xe3: {  	v62 =	vsub.s32 v37, v0;
	v63 =	vsub.s32 v24, v0;
	v9 =	vsub.s32 v4, v0  }
0xe4: {  	v2 =	vmin.u32 v2, v20;
	v20 =	vtrunc.f32 v26;
	v26 =	vmul.u32 v53, v0  }
0xe5: {  	v13 =	vmin.u32 v60, v13;
	v15 =	vmin.u32 v11, v15;
	v11 =	vmin.u32 v24, v63  }
0xe6: {  	v54 =	vsub.s32 v2, v0;
	v20 =	vcvt.f32.s32 v20;
	v8 =	vmul.u32 v8, v0  }
0xe7: {  	v17 =	vmul.u32 v17, v0;
	v33 =	vmin.u32 v2, v54;
	v2 =	vtrunc.f32 v32  }
0xe8: {  	v26 =	vsub.s32 v27, v26;
	v27 =	vmul.u32 v55, v0;
	v2 =	vcvt.f32.s32 v2  }
0xe9: {  	v20 =	vmul.u32 v20, v0;
	v35 =	vsub.s32 v7, v8;
	v36 =	vsub.s32 v10, v17  }
0xea: {  	v8 =	vsub.s32 v26, v0;
	v10 =	vsub.s32 v5, v0;
	v6 =	vsub.s32 v18, v27  }
0xeb: {  	v23 =	vsub.s32 v35, v0;
	v61 =	vsub.s32 v36, v0;
	v12 =	vmin.u32 v26, v8  }
0xec: {  	v59 =	vmul.u32 v2, v0;
	v7 =	vsub.s32 v16, v20;
	v2 =	vsub.s32 v19, v28  }
0xed: {  	v16 =	vsub.s32 v14, v0;
	v19 =	vsub.s32 v34, v0;
	v18 =	vsub.s32 v6, v0  }
0xee: {  	v21 =	vsub.s32 v7, v0;
	v17 =	vsub.s32 v2, v0;
	v20 =	vmin.u32 v14, v16  }
0xef: {  	v22 =	vmin.u32 v34, v19;
	v19 =	vmin.u32 v35, v23;
	v3 =	vsub.s32 v25, v59  }
0xf0: {  	s26 =	simm.s32 $0x0;
	s28 =	simm.s32 $0x6580;
	[tilespmem:s25+$0x70] =	vst v33;
	v16 =	vmin.u32 v36, v61;
	v14 =	vmin.u32 v37, v62;
	v8 =	vsub.s32 v3, v0  }
.LBB2_4:
0xf1: {  	v25 =	vld [tilespmem:s28+$0x70];
	s26 =	sadd.s32 $0x2, s26;
	v26 =	vmin.u32 v7, v21;
	v27 =	vmin.u32 v6, v18;
	v24 =	vmin.u32 v2, v17  }
0xf2: {  	v23 =	vmin.u32 v5, v10;
	v21 =	vmin.u32 v4, v9;
	v18 =	vmin.u32 v3, v8;
	v2 =	vld [tilespmem:s28+$0xFFFFFF90];
	p0 =	slt.u32 s26, $0xC6  }
0xf3: {  	v17 =	vsub.s32 v12, v0;
	v28 =	vsub.s32 v13, v0;
	v29 =	vsub.s32 v15, v0;
	v3 =	vld [tilespmem:s28+$0xFFFFFFA0]  }
0xf4: {  	v30 =	vsub.s32 v20, v0;
	v31 =	vsub.s32 v22, v0;
	v32 =	vsub.s32 v19, v0;
	v4 =	vld [tilespmem:s28+$0xFFFFFFB0]  }
0xf5: {  	v33 =	vsub.s32 v16, v0;
	v34 =	vsub.s32 v14, v0;
	v35 =	vsub.s32 v11, v0;
	v5 =	vld [tilespmem:s28+$0xFFFFFFC0]  }
0xf6: {  	v36 =	vsub.s32 v26, v0;
	v37 =	vsub.s32 v27, v0;
	v6 =	vld [tilespmem:s28+$0xFFFFFFD0];
	v9 =	vcvt.s32.f32 v25  }
0xf7: {  	v38 =	vsub.s32 v24, v0;
	v39 =	vsub.s32 v23, v0;
	v10 =	vcvt.s32.f32 v2;
	v7 =	vld [tilespmem:s28+$0xFFFFFFE0]  }
0xf8: {  	v42 =	vsub.s32 v21, v0;
	v40 =	vcvt.s32.f32 v3;
	v8 =	vld [tilespmem:s28+$0xFFFFFFF0];
	v41 =	vmul.f32 v9, v1  }
0xf9: {  	v45 =	vsub.s32 v18, v0;
	v43 =	vmul.f32 v10, v1;
	v44 =	vcvt.s32.f32 v4;
	v9 =	vld [tilespmem:s28+$0x0]  }
0xfa: {  	v17 =	vmin.u32 v12, v17;
	v46 =	vcvt.s32.f32 v5;
	v10 =	vld [tilespmem:s28+$0x10];
	v41 =	vtrunc.f32 v41  }
0xfb: {  	v47 =	vcvt.s32.f32 v6;
	v12 =	vld [tilespmem:s28+$0x20];
	v41 =	vcvt.f32.s32 v41;
	[tilespmem:s25+$0xFFFFFF80] =	vst v17;
	v17 =	vmin.u32 v13, v28  }
0xfc: {  	v28 =	vmul.f32 v40, v1;
	v40 =	vcvt.s32.f32 v7;
	v13 =	vld [tilespmem:s28+$0x30];
	[tilespmem:s25+$0xFFFFFF90] =	vst v17;
	v17 =	vmin.u32 v15, v29  }
0xfd: {  	v29 =	vmul.f32 v44, v1;
	v44 =	vcvt.s32.f32 v8;
	v15 =	vld [tilespmem:s28+$0x40];
	v41 =	vmul.u32 v41, v0;
	[tilespmem:s25+$0xFFFFFFA0] =	vst v17  }
0xfe: {  	v30 =	vmin.u32 v20, v30;
	v46 =	vmul.f32 v46, v1;
	v48 =	vcvt.s32.f32 v9;
	v17 =	vld [tilespmem:s28+$0x50]  }
0xff: {  	v47 =	vmul.f32 v47, v1;
	v49 =	vcvt.s32.f32 v10;
	v20 =	vld [tilespmem:s28+$0x60];
	v25 =	vsub.s32 v25, v41;
	[tilespmem:s25+$0xFFFFFFB0] =	vst v30  }
0x100: {  	v40 =	vmul.f32 v40, v1;
	v30 =	vld [tilespmem:s28+$0xFFFFFF80];
	v41 =	vcvt.s32.f32 v12;
	v50 =	vsub.s32 v25, v0  }
0x101: {  	v44 =	vmul.f32 v44, v1;
	v51 =	vcvt.s32.f32 v13;
	v25 =	vmin.u32 v25, v50  }
0x102: {  	v48 =	vmul.f32 v48, v1;
	v50 =	vcvt.s32.f32 v15;
	v52 =	vsub.s32 v25, v0  }
0x103: {  	v49 =	vmul.f32 v49, v1;
	v53 =	vcvt.s32.f32 v17;
	v25 =	vmin.u32 v25, v52  }
0x104: {  	v22 =	vmin.u32 v22, v31;
	v41 =	vmul.f32 v41, v1;
	v52 =	vcvt.s32.f32 v20;
	[tilespmem:s28+$0x70] =	vst v25  }
0x105: {  	v19 =	vmin.u32 v19, v32;
	v31 =	vmul.f32 v51, v1;
	v25 =	vcvt.s32.f32 v30;
	[tilespmem:s25+$0xFFFFFFC0] =	vst v22  }
0x106: {  	v16 =	vmin.u32 v16, v33;
	v22 =	vmul.f32 v50, v1;
	v32 =	vmul.f32 v53, v1;
	[tilespmem:s25+$0xFFFFFFD0] =	vst v19  }
0x107: {  	v14 =	vmin.u32 v14, v34;
	v19 =	vmul.f32 v25, v1;
	v25 =	vmul.f32 v52, v1;
	[tilespmem:s25+$0xFFFFFFE0] =	vst v16  }
0x108: {  	v11 =	vmin.u32 v11, v35;
	v28 =	vtrunc.f32 v28;
	v16 =	vtrunc.f32 v43;
	[tilespmem:s25+$0xFFFFFFF0] =	vst v14  }
0x109: {  	v14 =	vtrunc.f32 v19;
	v19 =	vtrunc.f32 v29;
	[tilespmem:s25+$0x0] =	vst v11;
	v11 =	vmin.u32 v26, v36  }
0x10a: {  	v26 =	vtrunc.f32 v46;
	v29 =	vtrunc.f32 v47;
	[tilespmem:s25+$0x10] =	vst v11;
	v11 =	vmin.u32 v27, v37  }
0x10b: {  	v33 =	vtrunc.f32 v44;
	v27 =	vtrunc.f32 v40;
	[tilespmem:s25+$0x20] =	vst v11;
	v11 =	vmin.u32 v24, v38  }
0x10c: {  	v34 =	vtrunc.f32 v49;
	v24 =	vtrunc.f32 v48;
	[tilespmem:s25+$0x30] =	vst v11;
	v11 =	vmin.u32 v23, v39  }
0x10d: {  	v31 =	vtrunc.f32 v31;
	v23 =	vtrunc.f32 v41;
	[tilespmem:s25+$0x40] =	vst v11;
	v11 =	vmin.u32 v21, v42  }
0x10e: {  	v21 =	vtrunc.f32 v22;
	v22 =	vtrunc.f32 v32;
	[tilespmem:s25+$0x50] =	vst v11;
	v11 =	vmin.u32 v18, v45  }
0x10f: {  	v14 =	vcvt.f32.s32 v14;
	v18 =	vtrunc.f32 v25;
	[tilespmem:s25+$0x60] =	vst v11;
	s25 =	smov.u32 s28  }
0x110: {  	v11 =	vcvt.f32.s32 v16;
	v16 =	vcvt.f32.s32 v28  }
0x111: {  	v19 =	vcvt.f32.s32 v19;
	v14 =	vmul.u32 v14, v0;
	v25 =	vcvt.f32.s32 v26  }
0x112: {  	v27 =	vcvt.f32.s32 v27;
	v26 =	vcvt.f32.s32 v29;
	v11 =	vmul.u32 v11, v0  }
0x113: {  	v24 =	vcvt.f32.s32 v24;
	v28 =	vcvt.f32.s32 v33;
	v16 =	vmul.u32 v16, v0  }
0x114: {  	v19 =	vmul.u32 v19, v0;
	v23 =	vcvt.f32.s32 v23;
	v29 =	vcvt.f32.s32 v34  }
0x115: {  	v31 =	vcvt.f32.s32 v31;
	v21 =	vcvt.f32.s32 v21;
	v25 =	vmul.u32 v25, v0  }
0x116: {  	v22 =	vcvt.f32.s32 v22;
	v18 =	vcvt.f32.s32 v18;
	v26 =	vmul.u32 v26, v0  }
0x117: {  	v27 =	vmul.u32 v27, v0;
	v24 =	vmul.u32 v24, v0;
	v28 =	vmul.u32 v28, v0  }
0x118: {  	v31 =	vmul.u32 v31, v0;
	v23 =	vmul.u32 v23, v0;
	v29 =	vmul.u32 v29, v0  }
0x119: {  	v21 =	vmul.u32 v21, v0;
	v22 =	vmul.u32 v22, v0;
	v18 =	vmul.u32 v18, v0  }
0x11a: {  	v14 =	vsub.s32 v30, v14;
	v11 =	vsub.s32 v2, v11;
	v16 =	vsub.s32 v3, v16  }
0x11b: {  	v19 =	vsub.s32 v4, v19;
	v25 =	vsub.s32 v5, v25;
	v26 =	vsub.s32 v6, v26  }
0x11c: {  	v27 =	vsub.s32 v7, v27;
	v24 =	vsub.s32 v9, v24;
	v28 =	vsub.s32 v8, v28  }
0x11d: {  	v7 =	vsub.s32 v10, v29;
	v6 =	vsub.s32 v12, v23;
	v2 =	vsub.s32 v13, v31  }
0x11e: {  	v5 =	vsub.s32 v15, v21;
	v4 =	vsub.s32 v17, v22;
	v3 =	vsub.s32 v20, v18  }
0x11f: {  	v12 =	vsub.s32 v14, v0;
	v13 =	vsub.s32 v11, v0;
	v15 =	vsub.s32 v16, v0  }
0x120: {  	v20 =	vsub.s32 v19, v0;
	v22 =	vsub.s32 v25, v0;
	v23 =	vsub.s32 v26, v0  }
0x121: {  	v29 =	vsub.s32 v27, v0;
	v31 =	vsub.s32 v24, v0;
	v30 =	vsub.s32 v28, v0  }
.Ltmp1:
0x122: {  	v21 =	vsub.s32 v7, v0;
	v18 =	vsub.s32 v6, v0;
	v17 =	vsub.s32 v2, v0;
	(pc) =	sbr.rel @p0 .LBB2_4-.Ltmp1, $4  }
0x123: {  	v10 =	vsub.s32 v5, v0;
	v9 =	vsub.s32 v4, v0;
	v8 =	vsub.s32 v3, v0  }
0x124: {  	v12 =	vmin.u32 v14, v12;
	v13 =	vmin.u32 v11, v13;
	v15 =	vmin.u32 v16, v15  }
0x125: {  	v20 =	vmin.u32 v19, v20;
	v22 =	vmin.u32 v25, v22;
	v19 =	vmin.u32 v26, v23  }
0x126: {  	s28 =	sadd.s32 $0x100, s28;
	v16 =	vmin.u32 v27, v29;
	v14 =	vmin.u32 v28, v30;
	v11 =	vmin.u32 v24, v31  }
0x127: {  	v23 =	vsub.s32 v12, v0  }
0x128: {  	v24 =	vsub.s32 v13, v0;
	v2 =	vmin.u32 v2, v17;
	v12 =	vmin.u32 v12, v23  }
0x129: {  	v5 =	vmin.u32 v5, v10;
	v10 =	vsub.s32 v2, v0;
	[tilespmem:s25+$0xFFFFFF80] =	vst v12;
	v12 =	vmin.u32 v13, v24  }
0x12a: {  	v23 =	vsub.s32 v15, v0;
	v2 =	vmin.u32 v2, v10;
	[tilespmem:s25+$0xFFFFFF90] =	vst v12  }
0x12b: {  	v13 =	vsub.s32 v20, v0;
	v12 =	vmin.u32 v15, v23;
	[tilespmem:s25+$0x30] =	vst v2  }
0x12c: {  	v15 =	vsub.s32 v22, v0;
	[tilespmem:s25+$0xFFFFFFA0] =	vst v12;
	v12 =	vmin.u32 v20, v13  }
0x12d: {  	v13 =	vsub.s32 v19, v0;
	[tilespmem:s25+$0xFFFFFFB0] =	vst v12;
	v12 =	vmin.u32 v22, v15  }
0x12e: {  	v15 =	vsub.s32 v16, v0;
	[tilespmem:s25+$0xFFFFFFC0] =	vst v12;
	v12 =	vmin.u32 v19, v13  }
0x12f: {  	v13 =	vsub.s32 v14, v0;
	[tilespmem:s25+$0xFFFFFFD0] =	vst v12;
	v12 =	vmin.u32 v16, v15  }
0x130: {  	v7 =	vmin.u32 v7, v21;
	v15 =	vsub.s32 v11, v0;
	[tilespmem:s25+$0xFFFFFFE0] =	vst v12;
	v12 =	vmin.u32 v14, v13  }
0x131: {  	v6 =	vmin.u32 v6, v18;
	v13 =	vsub.s32 v7, v0;
	v11 =	vmin.u32 v11, v15;
	[tilespmem:s25+$0xFFFFFFF0] =	vst v12  }
0x132: {  	v12 =	vsub.s32 v6, v0;
	[tilespmem:s25+$0x0] =	vst v11;
	v7 =	vmin.u32 v7, v13  }
0x133: {  	v4 =	vmin.u32 v4, v9;
	[tilespmem:s25+$0x10] =	vst v7;
	v6 =	vmin.u32 v6, v12;
	v7 =	vsub.s32 v5, v0  }
0x134: {  	v3 =	vmin.u32 v3, v8;
	[tilespmem:s25+$0x20] =	vst v6;
	v6 =	vsub.s32 v4, v0;
	v2 =	vmin.u32 v5, v7  }
0x135: {  	v5 =	vsub.s32 v3, v0;
	[tilespmem:s25+$0x40] =	vst v2;
	v2 =	vmin.u32 v4, v6  }
0x136: {  	[tilespmem:s25+$0x50] =	vst v2;
	v2 =	vmin.u32 v3, v5  }
0x137: {  	[tilespmem:s25+$0x60] =	vst v2  }
0x138: {  	[hbm4b:s9+s17] =	stream.strided.scatter [tilespmem:s19], [sflag:$0x4], $0x6400, s18, s17, $0x38;
	[tilespmem:$0xC900] =	vst v63  }
0x139: {  	_ =	swait.ge [sflag:s23], $0x6400  }
0x13a: {  	[sflag:s23] =	ssyncset.done $0x0  }
0x13b: {  	[sflag:s23] =	ssyncadd.s32 $0xFFFF9C00  }
0x13c: {  	[tilespmem:s19], [sflag:$0x2] =	stream.strided.gather [hbm4b:s10+s17], $0x6400, s18, s17, $0x38;
	[tilespmem:$0xC900] =	vst v63  }
0x13d: {  	_ =	swait.ge [sflag:s20], $0x6400  }
0x13e: {  	[sflag:s20] =	ssyncset.done $0x0  }
0x13f: {  	s25 =	simm.s32 $0x80;
	[sflag:s20] =	ssyncadd.s32 $0xFFFF9C00  }
0x140: {  	v2 =	vld [tilespmem:s25+$0x70]  }
0x141: {  	v3 =	vld [tilespmem:s25+$0xFFFFFF90]  }
0x142: {  	v4 =	vld [tilespmem:s25+$0xFFFFFFA0]  }
0x143: {  	v5 =	vld [tilespmem:s25+$0xFFFFFFB0]  }
0x144: {  	v6 =	vld [tilespmem:s25+$0xFFFFFFC0]  }
0x145: {  	v7 =	vld [tilespmem:s25+$0xFFFFFFD0]  }
0x146: {  	v10 =	vld [tilespmem:s25+$0xFFFFFFE0]  }
0x147: {  	v12 =	vld [tilespmem:s25+$0xFFFFFFF0]  }
0x148: {  	v13 =	vld [tilespmem:s25+$0x0]  }
0x149: {  	v16 =	vld [tilespmem:s25+$0x10]  }
0x14a: {  	v18 =	vld [tilespmem:s25+$0x20]  }
0x14b: {  	v19 =	vld [tilespmem:s25+$0x30]  }
0x14c: {  	v21 =	vld [tilespmem:s25+$0x40];
	v8 =	vcvt.s32.f32 v2  }
0x14d: {  	v23 =	vld [tilespmem:s25+$0x50];
	v9 =	vcvt.s32.f32 v3;
	v11 =	vcvt.s32.f32 v4  }
0x14e: {  	v25 =	vld [tilespmem:s25+$0x60];
	v14 =	vcvt.s32.f32 v5;
	v15 =	vcvt.s32.f32 v6  }
0x14f: {  	v27 =	vld [tilespmem:s25+$0xFFFFFF80];
	v17 =	vcvt.s32.f32 v7;
	v20 =	vcvt.s32.f32 v10  }
0x150: {  	v22 =	vcvt.s32.f32 v12;
	v52 =	vcvt.s32.f32 v13  }
0x151: {  	v26 =	vcvt.s32.f32 v16;
	v28 =	vcvt.s32.f32 v18  }
0x152: {  	v29 =	vcvt.s32.f32 v19;
	v30 =	vcvt.s32.f32 v21  }
0x153: {  	v31 =	vcvt.s32.f32 v23;
	v32 =	vcvt.s32.f32 v25  }
0x154: {  	v33 =	vcvt.s32.f32 v27;
	v8 =	vmul.f32 v8, v1  }
0x155: {  	v9 =	vmul.f32 v9, v1;
	v11 =	vmul.f32 v11, v1  }
0x156: {  	v14 =	vmul.f32 v14, v1;
	v15 =	vmul.f32 v15, v1  }
0x157: {  	v17 =	vmul.f32 v17, v1;
	v20 =	vmul.f32 v20, v1  }
0x158: {  	v22 =	vmul.f32 v22, v1;
	v24 =	vmul.f32 v52, v1  }
0x159: {  	v26 =	vmul.f32 v26, v1;
	v28 =	vmul.f32 v28, v1  }
0x15a: {  	v29 =	vmul.f32 v29, v1;
	v30 =	vmul.f32 v30, v1  }
0x15b: {  	v31 =	vmul.f32 v31, v1;
	v33 =	vmul.f32 v33, v1  }
0x15c: {  	v32 =	vmul.f32 v32, v1;
	v8 =	vtrunc.f32 v8  }
0x15d: {  	v9 =	vtrunc.f32 v9;
	v11 =	vtrunc.f32 v11  }
0x15e: {  	v33 =	vtrunc.f32 v33;
	v14 =	vtrunc.f32 v14  }
0x15f: {  	v15 =	vtrunc.f32 v15;
	v22 =	vtrunc.f32 v22  }
0x160: {  	v24 =	vtrunc.f32 v24;
	v28 =	vtrunc.f32 v28  }
0x161: {  	v29 =	vtrunc.f32 v29;
	v30 =	vtrunc.f32 v30  }
0x162: {  	v31 =	vtrunc.f32 v31;
	v8 =	vcvt.f32.s32 v8  }
0x163: {  	v53 =	vcvt.f32.s32 v33;
	v9 =	vcvt.f32.s32 v9  }
0x164: {  	v11 =	vcvt.f32.s32 v11;
	v14 =	vcvt.f32.s32 v14  }
0x165: {  	v15 =	vcvt.f32.s32 v15;
	v22 =	vcvt.f32.s32 v22  }
0x166: {  	v24 =	vcvt.f32.s32 v24;
	v55 =	vcvt.f32.s32 v28  }
0x167: {  	v56 =	vcvt.f32.s32 v29;
	v57 =	vcvt.f32.s32 v30  }
0x168: {  	v58 =	vcvt.f32.s32 v31;
	v8 =	vmul.u32 v8, v0;
	v9 =	vmul.u32 v9, v0  }
0x169: {  	v11 =	vmul.u32 v11, v0;
	v14 =	vmul.u32 v14, v0;
	v15 =	vmul.u32 v15, v0  }
0x16a: {  	v22 =	vmul.u32 v22, v0;
	v24 =	vmul.u32 v24, v0;
	v28 =	vmul.u32 v56, v0  }
0x16b: {  	v29 =	vmul.u32 v57, v0;
	v30 =	vmul.u32 v58, v0;
	v2 =	vsub.s32 v2, v8  }
0x16c: {  	v8 =	vtrunc.f32 v17;
	v17 =	vtrunc.f32 v20;
	v60 =	vsub.s32 v3, v9  }
0x16d: {  	v11 =	vsub.s32 v4, v11;
	v14 =	vsub.s32 v5, v14;
	v34 =	vsub.s32 v6, v15  }
0x16e: {  	v37 =	vsub.s32 v12, v22;
	v24 =	vsub.s32 v13, v24;
	v5 =	vsub.s32 v21, v29  }
0x16f: {  	v4 =	vsub.s32 v23, v30;
	v20 =	vsub.s32 v2, v0;
	v8 =	vcvt.f32.s32 v8  }
0x170: {  	v17 =	vcvt.f32.s32 v17;
	v13 =	vsub.s32 v60, v0;
	v15 =	vsub.s32 v11, v0  }
0x171: {  	v62 =	vsub.s32 v37, v0;
	v63 =	vsub.s32 v24, v0;
	v9 =	vsub.s32 v4, v0  }
0x172: {  	v2 =	vmin.u32 v2, v20;
	v20 =	vtrunc.f32 v26;
	v26 =	vmul.u32 v53, v0  }
0x173: {  	v13 =	vmin.u32 v60, v13;
	v15 =	vmin.u32 v11, v15;
	v11 =	vmin.u32 v24, v63  }
0x174: {  	v54 =	vsub.s32 v2, v0;
	v20 =	vcvt.f32.s32 v20;
	v8 =	vmul.u32 v8, v0  }
0x175: {  	v17 =	vmul.u32 v17, v0;
	v33 =	vmin.u32 v2, v54;
	v2 =	vtrunc.f32 v32  }
0x176: {  	v26 =	vsub.s32 v27, v26;
	v27 =	vmul.u32 v55, v0;
	v2 =	vcvt.f32.s32 v2  }
0x177: {  	v20 =	vmul.u32 v20, v0;
	v35 =	vsub.s32 v7, v8;
	v36 =	vsub.s32 v10, v17  }
0x178: {  	v8 =	vsub.s32 v26, v0;
	v10 =	vsub.s32 v5, v0;
	v6 =	vsub.s32 v18, v27  }
0x179: {  	v23 =	vsub.s32 v35, v0;
	v61 =	vsub.s32 v36, v0;
	v12 =	vmin.u32 v26, v8  }
0x17a: {  	v59 =	vmul.u32 v2, v0;
	v7 =	vsub.s32 v16, v20;
	v2 =	vsub.s32 v19, v28  }
0x17b: {  	v16 =	vsub.s32 v14, v0;
	v19 =	vsub.s32 v34, v0;
	v18 =	vsub.s32 v6, v0  }
0x17c: {  	v21 =	vsub.s32 v7, v0;
	v17 =	vsub.s32 v2, v0;
	v20 =	vmin.u32 v14, v16  }
0x17d: {  	v22 =	vmin.u32 v34, v19;
	v19 =	vmin.u32 v35, v23;
	v3 =	vsub.s32 v25, v59  }
0x17e: {  	s26 =	simm.s32 $0x0;
	s28 =	simm.s32 $0x180;
	[tilespmem:s25+$0x70] =	vst v33;
	v16 =	vmin.u32 v36, v61;
	v14 =	vmin.u32 v37, v62;
	v8 =	vsub.s32 v3, v0  }
.LBB2_6:
0x17f: {  	v25 =	vld [tilespmem:s28+$0x70];
	s26 =	sadd.s32 $0x2, s26;
	v26 =	vmin.u32 v7, v21;
	v27 =	vmin.u32 v6, v18;
	v24 =	vmin.u32 v2, v17  }
0x180: {  	v23 =	vmin.u32 v5, v10;
	v21 =	vmin.u32 v4, v9;
	v18 =	vmin.u32 v3, v8;
	v2 =	vld [tilespmem:s28+$0xFFFFFF90];
	p0 =	slt.u32 s26, $0xC6  }
0x181: {  	v17 =	vsub.s32 v12, v0;
	v28 =	vsub.s32 v13, v0;
	v29 =	vsub.s32 v15, v0;
	v3 =	vld [tilespmem:s28+$0xFFFFFFA0]  }
0x182: {  	v30 =	vsub.s32 v20, v0;
	v31 =	vsub.s32 v22, v0;
	v32 =	vsub.s32 v19, v0;
	v4 =	vld [tilespmem:s28+$0xFFFFFFB0]  }
0x183: {  	v33 =	vsub.s32 v16, v0;
	v34 =	vsub.s32 v14, v0;
	v35 =	vsub.s32 v11, v0;
	v5 =	vld [tilespmem:s28+$0xFFFFFFC0]  }
0x184: {  	v36 =	vsub.s32 v26, v0;
	v37 =	vsub.s32 v27, v0;
	v6 =	vld [tilespmem:s28+$0xFFFFFFD0];
	v9 =	vcvt.s32.f32 v25  }
0x185: {  	v38 =	vsub.s32 v24, v0;
	v39 =	vsub.s32 v23, v0;
	v10 =	vcvt.s32.f32 v2;
	v7 =	vld [tilespmem:s28+$0xFFFFFFE0]  }
0x186: {  	v42 =	vsub.s32 v21, v0;
	v40 =	vcvt.s32.f32 v3;
	v8 =	vld [tilespmem:s28+$0xFFFFFFF0];
	v41 =	vmul.f32 v9, v1  }
0x187: {  	v45 =	vsub.s32 v18, v0;
	v43 =	vmul.f32 v10, v1;
	v44 =	vcvt.s32.f32 v4;
	v9 =	vld [tilespmem:s28+$0x0]  }
0x188: {  	v17 =	vmin.u32 v12, v17;
	v46 =	vcvt.s32.f32 v5;
	v10 =	vld [tilespmem:s28+$0x10];
	v41 =	vtrunc.f32 v41  }
0x189: {  	v47 =	vcvt.s32.f32 v6;
	v12 =	vld [tilespmem:s28+$0x20];
	v41 =	vcvt.f32.s32 v41;
	[tilespmem:s25+$0xFFFFFF80] =	vst v17;
	v17 =	vmin.u32 v13, v28  }
0x18a: {  	v28 =	vmul.f32 v40, v1;
	v40 =	vcvt.s32.f32 v7;
	v13 =	vld [tilespmem:s28+$0x30];
	[tilespmem:s25+$0xFFFFFF90] =	vst v17;
	v17 =	vmin.u32 v15, v29  }
0x18b: {  	v29 =	vmul.f32 v44, v1;
	v44 =	vcvt.s32.f32 v8;
	v15 =	vld [tilespmem:s28+$0x40];
	v41 =	vmul.u32 v41, v0;
	[tilespmem:s25+$0xFFFFFFA0] =	vst v17  }
0x18c: {  	v30 =	vmin.u32 v20, v30;
	v46 =	vmul.f32 v46, v1;
	v48 =	vcvt.s32.f32 v9;
	v17 =	vld [tilespmem:s28+$0x50]  }
0x18d: {  	v47 =	vmul.f32 v47, v1;
	v49 =	vcvt.s32.f32 v10;
	v20 =	vld [tilespmem:s28+$0x60];
	v25 =	vsub.s32 v25, v41;
	[tilespmem:s25+$0xFFFFFFB0] =	vst v30  }
0x18e: {  	v40 =	vmul.f32 v40, v1;
	v30 =	vld [tilespmem:s28+$0xFFFFFF80];
	v41 =	vcvt.s32.f32 v12;
	v50 =	vsub.s32 v25, v0  }
0x18f: {  	v44 =	vmul.f32 v44, v1;
	v51 =	vcvt.s32.f32 v13;
	v25 =	vmin.u32 v25, v50  }
0x190: {  	v48 =	vmul.f32 v48, v1;
	v50 =	vcvt.s32.f32 v15;
	v52 =	vsub.s32 v25, v0  }
0x191: {  	v49 =	vmul.f32 v49, v1;
	v53 =	vcvt.s32.f32 v17;
	v25 =	vmin.u32 v25, v52  }
0x192: {  	v22 =	vmin.u32 v22, v31;
	v41 =	vmul.f32 v41, v1;
	v52 =	vcvt.s32.f32 v20;
	[tilespmem:s28+$0x70] =	vst v25  }
0x193: {  	v19 =	vmin.u32 v19, v32;
	v31 =	vmul.f32 v51, v1;
	v25 =	vcvt.s32.f32 v30;
	[tilespmem:s25+$0xFFFFFFC0] =	vst v22  }
0x194: {  	v16 =	vmin.u32 v16, v33;
	v22 =	vmul.f32 v50, v1;
	v32 =	vmul.f32 v53, v1;
	[tilespmem:s25+$0xFFFFFFD0] =	vst v19  }
0x195: {  	v14 =	vmin.u32 v14, v34;
	v19 =	vmul.f32 v25, v1;
	v25 =	vmul.f32 v52, v1;
	[tilespmem:s25+$0xFFFFFFE0] =	vst v16  }
0x196: {  	v11 =	vmin.u32 v11, v35;
	v28 =	vtrunc.f32 v28;
	v16 =	vtrunc.f32 v43;
	[tilespmem:s25+$0xFFFFFFF0] =	vst v14  }
0x197: {  	v14 =	vtrunc.f32 v19;
	v19 =	vtrunc.f32 v29;
	[tilespmem:s25+$0x0] =	vst v11;
	v11 =	vmin.u32 v26, v36  }
0x198: {  	v26 =	vtrunc.f32 v46;
	v29 =	vtrunc.f32 v47;
	[tilespmem:s25+$0x10] =	vst v11;
	v11 =	vmin.u32 v27, v37  }
0x199: {  	v33 =	vtrunc.f32 v44;
	v27 =	vtrunc.f32 v40;
	[tilespmem:s25+$0x20] =	vst v11;
	v11 =	vmin.u32 v24, v38  }
0x19a: {  	v34 =	vtrunc.f32 v49;
	v24 =	vtrunc.f32 v48;
	[tilespmem:s25+$0x30] =	vst v11;
	v11 =	vmin.u32 v23, v39  }
0x19b: {  	v31 =	vtrunc.f32 v31;
	v23 =	vtrunc.f32 v41;
	[tilespmem:s25+$0x40] =	vst v11;
	v11 =	vmin.u32 v21, v42  }
0x19c: {  	v21 =	vtrunc.f32 v22;
	v22 =	vtrunc.f32 v32;
	[tilespmem:s25+$0x50] =	vst v11;
	v11 =	vmin.u32 v18, v45  }
0x19d: {  	v14 =	vcvt.f32.s32 v14;
	v18 =	vtrunc.f32 v25;
	[tilespmem:s25+$0x60] =	vst v11;
	s25 =	smov.u32 s28  }
0x19e: {  	v11 =	vcvt.f32.s32 v16;
	v16 =	vcvt.f32.s32 v28  }
0x19f: {  	v19 =	vcvt.f32.s32 v19;
	v14 =	vmul.u32 v14, v0;
	v25 =	vcvt.f32.s32 v26  }
0x1a0: {  	v27 =	vcvt.f32.s32 v27;
	v26 =	vcvt.f32.s32 v29;
	v11 =	vmul.u32 v11, v0  }
0x1a1: {  	v24 =	vcvt.f32.s32 v24;
	v28 =	vcvt.f32.s32 v33;
	v16 =	vmul.u32 v16, v0  }
0x1a2: {  	v19 =	vmul.u32 v19, v0;
	v23 =	vcvt.f32.s32 v23;
	v29 =	vcvt.f32.s32 v34  }
0x1a3: {  	v31 =	vcvt.f32.s32 v31;
	v21 =	vcvt.f32.s32 v21;
	v25 =	vmul.u32 v25, v0  }
0x1a4: {  	v22 =	vcvt.f32.s32 v22;
	v18 =	vcvt.f32.s32 v18;
	v26 =	vmul.u32 v26, v0  }
0x1a5: {  	v27 =	vmul.u32 v27, v0;
	v24 =	vmul.u32 v24, v0;
	v28 =	vmul.u32 v28, v0  }
0x1a6: {  	v31 =	vmul.u32 v31, v0;
	v23 =	vmul.u32 v23, v0;
	v29 =	vmul.u32 v29, v0  }
0x1a7: {  	v21 =	vmul.u32 v21, v0;
	v22 =	vmul.u32 v22, v0;
	v18 =	vmul.u32 v18, v0  }
0x1a8: {  	v14 =	vsub.s32 v30, v14;
	v11 =	vsub.s32 v2, v11;
	v16 =	vsub.s32 v3, v16  }
0x1a9: {  	v19 =	vsub.s32 v4, v19;
	v25 =	vsub.s32 v5, v25;
	v26 =	vsub.s32 v6, v26  }
0x1aa: {  	v27 =	vsub.s32 v7, v27;
	v24 =	vsub.s32 v9, v24;
	v28 =	vsub.s32 v8, v28  }
0x1ab: {  	v7 =	vsub.s32 v10, v29;
	v6 =	vsub.s32 v12, v23;
	v2 =	vsub.s32 v13, v31  }
0x1ac: {  	v5 =	vsub.s32 v15, v21;
	v4 =	vsub.s32 v17, v22;
	v3 =	vsub.s32 v20, v18  }
0x1ad: {  	v12 =	vsub.s32 v14, v0;
	v13 =	vsub.s32 v11, v0;
	v15 =	vsub.s32 v16, v0  }
0x1ae: {  	v20 =	vsub.s32 v19, v0;
	v22 =	vsub.s32 v25, v0;
	v23 =	vsub.s32 v26, v0  }
0x1af: {  	v29 =	vsub.s32 v27, v0;
	v31 =	vsub.s32 v24, v0;
	v30 =	vsub.s32 v28, v0  }
.Ltmp2:
0x1b0: {  	v21 =	vsub.s32 v7, v0;
	v18 =	vsub.s32 v6, v0;
	v17 =	vsub.s32 v2, v0;
	(pc) =	sbr.rel @p0 .LBB2_6-.Ltmp2, $4  }
0x1b1: {  	v10 =	vsub.s32 v5, v0;
	v9 =	vsub.s32 v4, v0;
	v8 =	vsub.s32 v3, v0  }
0x1b2: {  	v12 =	vmin.u32 v14, v12;
	v13 =	vmin.u32 v11, v13;
	v15 =	vmin.u32 v16, v15  }
0x1b3: {  	v20 =	vmin.u32 v19, v20;
	v22 =	vmin.u32 v25, v22;
	v19 =	vmin.u32 v26, v23  }
0x1b4: {  	s28 =	sadd.s32 $0x100, s28;
	v16 =	vmin.u32 v27, v29;
	v14 =	vmin.u32 v28, v30;
	v11 =	vmin.u32 v24, v31  }
0x1b5: {  	v23 =	vsub.s32 v12, v0  }
0x1b6: {  	v24 =	vsub.s32 v13, v0;
	v2 =	vmin.u32 v2, v17;
	v12 =	vmin.u32 v12, v23  }
0x1b7: {  	v5 =	vmin.u32 v5, v10;
	v10 =	vsub.s32 v2, v0;
	[tilespmem:s25+$0xFFFFFF80] =	vst v12;
	v12 =	vmin.u32 v13, v24  }
0x1b8: {  	v23 =	vsub.s32 v15, v0;
	v2 =	vmin.u32 v2, v10;
	[tilespmem:s25+$0xFFFFFF90] =	vst v12  }
0x1b9: {  	v13 =	vsub.s32 v20, v0;
	v12 =	vmin.u32 v15, v23;
	[tilespmem:s25+$0x30] =	vst v2  }
0x1ba: {  	v15 =	vsub.s32 v22, v0;
	[tilespmem:s25+$0xFFFFFFA0] =	vst v12;
	v12 =	vmin.u32 v20, v13  }
0x1bb: {  	v13 =	vsub.s32 v19, v0;
	[tilespmem:s25+$0xFFFFFFB0] =	vst v12;
	v12 =	vmin.u32 v22, v15  }
0x1bc: {  	v15 =	vsub.s32 v16, v0;
	[tilespmem:s25+$0xFFFFFFC0] =	vst v12;
	v12 =	vmin.u32 v19, v13  }
0x1bd: {  	v13 =	vsub.s32 v14, v0;
	[tilespmem:s25+$0xFFFFFFD0] =	vst v12;
	v12 =	vmin.u32 v16, v15  }
0x1be: {  	v7 =	vmin.u32 v7, v21;
	v15 =	vsub.s32 v11, v0;
	[tilespmem:s25+$0xFFFFFFE0] =	vst v12;
	v12 =	vmin.u32 v14, v13  }
0x1bf: {  	v6 =	vmin.u32 v6, v18;
	v13 =	vsub.s32 v7, v0;
	v11 =	vmin.u32 v11, v15;
	[tilespmem:s25+$0xFFFFFFF0] =	vst v12  }
0x1c0: {  	v12 =	vsub.s32 v6, v0;
	[tilespmem:s25+$0x0] =	vst v11;
	v7 =	vmin.u32 v7, v13  }
0x1c1: {  	v4 =	vmin.u32 v4, v9;
	[tilespmem:s25+$0x10] =	vst v7;
	v6 =	vmin.u32 v6, v12;
	v7 =	vsub.s32 v5, v0  }
0x1c2: {  	v3 =	vmin.u32 v3, v8;
	[tilespmem:s25+$0x20] =	vst v6;
	v6 =	vsub.s32 v4, v0;
	v2 =	vmin.u32 v5, v7  }
0x1c3: {  	v5 =	vsub.s32 v3, v0;
	[tilespmem:s25+$0x40] =	vst v2;
	v2 =	vmin.u32 v4, v6  }
0x1c4: {  	[tilespmem:s25+$0x50] =	vst v2;
	v2 =	vmin.u32 v3, v5  }
0x1c5: {  	[tilespmem:s25+$0x60] =	vst v2  }
0x1c6: {  	[hbm4b:s11+s17] =	stream.strided.scatter [tilespmem:s3], [sflag:$0x3], $0x6400, s18, s17, $0x38;
	[tilespmem:$0xC900] =	vst v63  }
0x1c7: {  	_ =	swait.ge [sflag:s22], $0x6400  }
0x1c8: {  	[sflag:s22] =	ssyncset.done $0x0  }
0x1c9: {  	s25 =	simm.s32 $0x6480;
	[sflag:s22] =	ssyncadd.s32 $0xFFFF9C00  }
0x1ca: {  	v2 =	vld [tilespmem:s25+$0x70]  }
0x1cb: {  	v3 =	vld [tilespmem:s25+$0xFFFFFF90]  }
0x1cc: {  	v4 =	vld [tilespmem:s25+$0xFFFFFFA0]  }
0x1cd: {  	v5 =	vld [tilespmem:s25+$0xFFFFFFB0]  }
0x1ce: {  	v6 =	vld [tilespmem:s25+$0xFFFFFFC0]  }
0x1cf: {  	v7 =	vld [tilespmem:s25+$0xFFFFFFD0]  }
0x1d0: {  	v10 =	vld [tilespmem:s25+$0xFFFFFFE0]  }
0x1d1: {  	v12 =	vld [tilespmem:s25+$0xFFFFFFF0]  }
0x1d2: {  	v13 =	vld [tilespmem:s25+$0x0]  }
0x1d3: {  	v16 =	vld [tilespmem:s25+$0x10]  }
0x1d4: {  	v18 =	vld [tilespmem:s25+$0x20]  }
0x1d5: {  	v19 =	vld [tilespmem:s25+$0x30]  }
0x1d6: {  	v21 =	vld [tilespmem:s25+$0x40];
	v8 =	vcvt.s32.f32 v2  }
0x1d7: {  	v23 =	vld [tilespmem:s25+$0x50];
	v9 =	vcvt.s32.f32 v3;
	v11 =	vcvt.s32.f32 v4  }
0x1d8: {  	v25 =	vld [tilespmem:s25+$0x60];
	v14 =	vcvt.s32.f32 v5;
	v15 =	vcvt.s32.f32 v6  }
0x1d9: {  	v27 =	vld [tilespmem:s25+$0xFFFFFF80];
	v17 =	vcvt.s32.f32 v7;
	v20 =	vcvt.s32.f32 v10  }
0x1da: {  	v22 =	vcvt.s32.f32 v12;
	v52 =	vcvt.s32.f32 v13  }
0x1db: {  	v26 =	vcvt.s32.f32 v16;
	v28 =	vcvt.s32.f32 v18  }
0x1dc: {  	v29 =	vcvt.s32.f32 v19;
	v30 =	vcvt.s32.f32 v21  }
0x1dd: {  	v31 =	vcvt.s32.f32 v23;
	v32 =	vcvt.s32.f32 v25  }
0x1de: {  	v33 =	vcvt.s32.f32 v27;
	v8 =	vmul.f32 v8, v1  }
0x1df: {  	v9 =	vmul.f32 v9, v1;
	v11 =	vmul.f32 v11, v1  }
0x1e0: {  	v14 =	vmul.f32 v14, v1;
	v15 =	vmul.f32 v15, v1  }
0x1e1: {  	v17 =	vmul.f32 v17, v1;
	v20 =	vmul.f32 v20, v1  }
0x1e2: {  	v22 =	vmul.f32 v22, v1;
	v24 =	vmul.f32 v52, v1  }
0x1e3: {  	v26 =	vmul.f32 v26, v1;
	v28 =	vmul.f32 v28, v1  }
0x1e4: {  	v29 =	vmul.f32 v29, v1;
	v30 =	vmul.f32 v30, v1  }
0x1e5: {  	v31 =	vmul.f32 v31, v1;
	v33 =	vmul.f32 v33, v1  }
0x1e6: {  	v32 =	vmul.f32 v32, v1;
	v8 =	vtrunc.f32 v8  }
0x1e7: {  	v9 =	vtrunc.f32 v9;
	v11 =	vtrunc.f32 v11  }
0x1e8: {  	v33 =	vtrunc.f32 v33;
	v14 =	vtrunc.f32 v14  }
0x1e9: {  	v15 =	vtrunc.f32 v15;
	v22 =	vtrunc.f32 v22  }
0x1ea: {  	v24 =	vtrunc.f32 v24;
	v28 =	vtrunc.f32 v28  }
0x1eb: {  	v29 =	vtrunc.f32 v29;
	v30 =	vtrunc.f32 v30  }
0x1ec: {  	v31 =	vtrunc.f32 v31;
	v8 =	vcvt.f32.s32 v8  }
0x1ed: {  	v53 =	vcvt.f32.s32 v33;
	v9 =	vcvt.f32.s32 v9  }
0x1ee: {  	v11 =	vcvt.f32.s32 v11;
	v14 =	vcvt.f32.s32 v14  }
0x1ef: {  	v15 =	vcvt.f32.s32 v15;
	v22 =	vcvt.f32.s32 v22  }
0x1f0: {  	v24 =	vcvt.f32.s32 v24;
	v55 =	vcvt.f32.s32 v28  }
0x1f1: {  	v56 =	vcvt.f32.s32 v29;
	v57 =	vcvt.f32.s32 v30  }
0x1f2: {  	v58 =	vcvt.f32.s32 v31;
	v8 =	vmul.u32 v8, v0;
	v9 =	vmul.u32 v9, v0  }
0x1f3: {  	v11 =	vmul.u32 v11, v0;
	v14 =	vmul.u32 v14, v0;
	v15 =	vmul.u32 v15, v0  }
0x1f4: {  	v22 =	vmul.u32 v22, v0;
	v24 =	vmul.u32 v24, v0;
	v28 =	vmul.u32 v56, v0  }
0x1f5: {  	v29 =	vmul.u32 v57, v0;
	v30 =	vmul.u32 v58, v0;
	v2 =	vsub.s32 v2, v8  }
0x1f6: {  	v8 =	vtrunc.f32 v17;
	v17 =	vtrunc.f32 v20;
	v60 =	vsub.s32 v3, v9  }
0x1f7: {  	v11 =	vsub.s32 v4, v11;
	v14 =	vsub.s32 v5, v14;
	v34 =	vsub.s32 v6, v15  }
0x1f8: {  	v37 =	vsub.s32 v12, v22;
	v24 =	vsub.s32 v13, v24;
	v5 =	vsub.s32 v21, v29  }
0x1f9: {  	v4 =	vsub.s32 v23, v30;
	v20 =	vsub.s32 v2, v0;
	v8 =	vcvt.f32.s32 v8  }
0x1fa: {  	v17 =	vcvt.f32.s32 v17;
	v13 =	vsub.s32 v60, v0;
	v15 =	vsub.s32 v11, v0  }
0x1fb: {  	v62 =	vsub.s32 v37, v0;
	v63 =	vsub.s32 v24, v0;
	v9 =	vsub.s32 v4, v0  }
0x1fc: {  	v2 =	vmin.u32 v2, v20;
	v20 =	vtrunc.f32 v26;
	v26 =	vmul.u32 v53, v0  }
0x1fd: {  	v13 =	vmin.u32 v60, v13;
	v15 =	vmin.u32 v11, v15;
	v11 =	vmin.u32 v24, v63  }
0x1fe: {  	v54 =	vsub.s32 v2, v0;
	v20 =	vcvt.f32.s32 v20;
	v8 =	vmul.u32 v8, v0  }
0x1ff: {  	v17 =	vmul.u32 v17, v0;
	v33 =	vmin.u32 v2, v54;
	v2 =	vtrunc.f32 v32  }
0x200: {  	v26 =	vsub.s32 v27, v26;
	v27 =	vmul.u32 v55, v0;
	v2 =	vcvt.f32.s32 v2  }
0x201: {  	v20 =	vmul.u32 v20, v0;
	v35 =	vsub.s32 v7, v8;
	v36 =	vsub.s32 v10, v17  }
0x202: {  	v8 =	vsub.s32 v26, v0;
	v10 =	vsub.s32 v5, v0;
	v6 =	vsub.s32 v18, v27  }
0x203: {  	v23 =	vsub.s32 v35, v0;
	v61 =	vsub.s32 v36, v0;
	v12 =	vmin.u32 v26, v8  }
0x204: {  	v59 =	vmul.u32 v2, v0;
	v7 =	vsub.s32 v16, v20;
	v2 =	vsub.s32 v19, v28  }
0x205: {  	v16 =	vsub.s32 v14, v0;
	v19 =	vsub.s32 v34, v0;
	v18 =	vsub.s32 v6, v0  }
0x206: {  	v21 =	vsub.s32 v7, v0;
	v17 =	vsub.s32 v2, v0;
	v20 =	vmin.u32 v14, v16  }
0x207: {  	v22 =	vmin.u32 v34, v19;
	v19 =	vmin.u32 v35, v23;
	v3 =	vsub.s32 v25, v59  }
0x208: {  	s26 =	simm.s32 $0x0;
	s28 =	simm.s32 $0x6580;
	[tilespmem:s25+$0x70] =	vst v33;
	v16 =	vmin.u32 v36, v61;
	v14 =	vmin.u32 v37, v62;
	v8 =	vsub.s32 v3, v0  }
.LBB2_8:
0x209: {  	v25 =	vld [tilespmem:s28+$0x70];
	s26 =	sadd.s32 $0x2, s26;
	v26 =	vmin.u32 v7, v21;
	v27 =	vmin.u32 v6, v18;
	v24 =	vmin.u32 v2, v17  }
0x20a: {  	v23 =	vmin.u32 v5, v10;
	v21 =	vmin.u32 v4, v9;
	v18 =	vmin.u32 v3, v8;
	v2 =	vld [tilespmem:s28+$0xFFFFFF90];
	p0 =	slt.u32 s26, $0xC6  }
0x20b: {  	v17 =	vsub.s32 v12, v0;
	v28 =	vsub.s32 v13, v0;
	v29 =	vsub.s32 v15, v0;
	v3 =	vld [tilespmem:s28+$0xFFFFFFA0]  }
0x20c: {  	v30 =	vsub.s32 v20, v0;
	v31 =	vsub.s32 v22, v0;
	v32 =	vsub.s32 v19, v0;
	v4 =	vld [tilespmem:s28+$0xFFFFFFB0]  }
0x20d: {  	v33 =	vsub.s32 v16, v0;
	v34 =	vsub.s32 v14, v0;
	v35 =	vsub.s32 v11, v0;
	v5 =	vld [tilespmem:s28+$0xFFFFFFC0]  }
0x20e: {  	v36 =	vsub.s32 v26, v0;
	v37 =	vsub.s32 v27, v0;
	v6 =	vld [tilespmem:s28+$0xFFFFFFD0];
	v9 =	vcvt.s32.f32 v25  }
0x20f: {  	v38 =	vsub.s32 v24, v0;
	v39 =	vsub.s32 v23, v0;
	v10 =	vcvt.s32.f32 v2;
	v7 =	vld [tilespmem:s28+$0xFFFFFFE0]  }
0x210: {  	v42 =	vsub.s32 v21, v0;
	v40 =	vcvt.s32.f32 v3;
	v8 =	vld [tilespmem:s28+$0xFFFFFFF0];
	v41 =	vmul.f32 v9, v1  }
0x211: {  	v45 =	vsub.s32 v18, v0;
	v43 =	vmul.f32 v10, v1;
	v44 =	vcvt.s32.f32 v4;
	v9 =	vld [tilespmem:s28+$0x0]  }
0x212: {  	v17 =	vmin.u32 v12, v17;
	v46 =	vcvt.s32.f32 v5;
	v10 =	vld [tilespmem:s28+$0x10];
	v41 =	vtrunc.f32 v41  }
0x213: {  	v47 =	vcvt.s32.f32 v6;
	v12 =	vld [tilespmem:s28+$0x20];
	v41 =	vcvt.f32.s32 v41;
	[tilespmem:s25+$0xFFFFFF80] =	vst v17;
	v17 =	vmin.u32 v13, v28  }
0x214: {  	v28 =	vmul.f32 v40, v1;
	v40 =	vcvt.s32.f32 v7;
	v13 =	vld [tilespmem:s28+$0x30];
	[tilespmem:s25+$0xFFFFFF90] =	vst v17;
	v17 =	vmin.u32 v15, v29  }
0x215: {  	v29 =	vmul.f32 v44, v1;
	v44 =	vcvt.s32.f32 v8;
	v15 =	vld [tilespmem:s28+$0x40];
	v41 =	vmul.u32 v41, v0;
	[tilespmem:s25+$0xFFFFFFA0] =	vst v17  }
0x216: {  	v30 =	vmin.u32 v20, v30;
	v46 =	vmul.f32 v46, v1;
	v48 =	vcvt.s32.f32 v9;
	v17 =	vld [tilespmem:s28+$0x50]  }
0x217: {  	v47 =	vmul.f32 v47, v1;
	v49 =	vcvt.s32.f32 v10;
	v20 =	vld [tilespmem:s28+$0x60];
	v25 =	vsub.s32 v25, v41;
	[tilespmem:s25+$0xFFFFFFB0] =	vst v30  }
0x218: {  	v40 =	vmul.f32 v40, v1;
	v30 =	vld [tilespmem:s28+$0xFFFFFF80];
	v41 =	vcvt.s32.f32 v12;
	v50 =	vsub.s32 v25, v0  }
0x219: {  	v44 =	vmul.f32 v44, v1;
	v51 =	vcvt.s32.f32 v13;
	v25 =	vmin.u32 v25, v50  }
0x21a: {  	v48 =	vmul.f32 v48, v1;
	v50 =	vcvt.s32.f32 v15;
	v52 =	vsub.s32 v25, v0  }
0x21b: {  	v49 =	vmul.f32 v49, v1;
	v53 =	vcvt.s32.f32 v17;
	v25 =	vmin.u32 v25, v52  }
0x21c: {  	v22 =	vmin.u32 v22, v31;
	v41 =	vmul.f32 v41, v1;
	v52 =	vcvt.s32.f32 v20;
	[tilespmem:s28+$0x70] =	vst v25  }
0x21d: {  	v19 =	vmin.u32 v19, v32;
	v31 =	vmul.f32 v51, v1;
	v25 =	vcvt.s32.f32 v30;
	[tilespmem:s25+$0xFFFFFFC0] =	vst v22  }
0x21e: {  	v16 =	vmin.u32 v16, v33;
	v22 =	vmul.f32 v50, v1;
	v32 =	vmul.f32 v53, v1;
	[tilespmem:s25+$0xFFFFFFD0] =	vst v19  }
0x21f: {  	v14 =	vmin.u32 v14, v34;
	v19 =	vmul.f32 v25, v1;
	v25 =	vmul.f32 v52, v1;
	[tilespmem:s25+$0xFFFFFFE0] =	vst v16  }
0x220: {  	v11 =	vmin.u32 v11, v35;
	v28 =	vtrunc.f32 v28;
	v16 =	vtrunc.f32 v43;
	[tilespmem:s25+$0xFFFFFFF0] =	vst v14  }
0x221: {  	v14 =	vtrunc.f32 v19;
	v19 =	vtrunc.f32 v29;
	[tilespmem:s25+$0x0] =	vst v11;
	v11 =	vmin.u32 v26, v36  }
0x222: {  	v26 =	vtrunc.f32 v46;
	v29 =	vtrunc.f32 v47;
	[tilespmem:s25+$0x10] =	vst v11;
	v11 =	vmin.u32 v27, v37  }
0x223: {  	v33 =	vtrunc.f32 v44;
	v27 =	vtrunc.f32 v40;
	[tilespmem:s25+$0x20] =	vst v11;
	v11 =	vmin.u32 v24, v38  }
0x224: {  	v34 =	vtrunc.f32 v49;
	v24 =	vtrunc.f32 v48;
	[tilespmem:s25+$0x30] =	vst v11;
	v11 =	vmin.u32 v23, v39  }
0x225: {  	v31 =	vtrunc.f32 v31;
	v23 =	vtrunc.f32 v41;
	[tilespmem:s25+$0x40] =	vst v11;
	v11 =	vmin.u32 v21, v42  }
0x226: {  	v21 =	vtrunc.f32 v22;
	v22 =	vtrunc.f32 v32;
	[tilespmem:s25+$0x50] =	vst v11;
	v11 =	vmin.u32 v18, v45  }
0x227: {  	v14 =	vcvt.f32.s32 v14;
	v18 =	vtrunc.f32 v25;
	[tilespmem:s25+$0x60] =	vst v11;
	s25 =	smov.u32 s28  }
0x228: {  	v11 =	vcvt.f32.s32 v16;
	v16 =	vcvt.f32.s32 v28  }
0x229: {  	v19 =	vcvt.f32.s32 v19;
	v14 =	vmul.u32 v14, v0;
	v25 =	vcvt.f32.s32 v26  }
0x22a: {  	v27 =	vcvt.f32.s32 v27;
	v26 =	vcvt.f32.s32 v29;
	v11 =	vmul.u32 v11, v0  }
0x22b: {  	v24 =	vcvt.f32.s32 v24;
	v28 =	vcvt.f32.s32 v33;
	v16 =	vmul.u32 v16, v0  }
0x22c: {  	v19 =	vmul.u32 v19, v0;
	v23 =	vcvt.f32.s32 v23;
	v29 =	vcvt.f32.s32 v34  }
0x22d: {  	v31 =	vcvt.f32.s32 v31;
	v21 =	vcvt.f32.s32 v21;
	v25 =	vmul.u32 v25, v0  }
0x22e: {  	v22 =	vcvt.f32.s32 v22;
	v18 =	vcvt.f32.s32 v18;
	v26 =	vmul.u32 v26, v0  }
0x22f: {  	v27 =	vmul.u32 v27, v0;
	v24 =	vmul.u32 v24, v0;
	v28 =	vmul.u32 v28, v0  }
0x230: {  	v31 =	vmul.u32 v31, v0;
	v23 =	vmul.u32 v23, v0;
	v29 =	vmul.u32 v29, v0  }
0x231: {  	v21 =	vmul.u32 v21, v0;
	v22 =	vmul.u32 v22, v0;
	v18 =	vmul.u32 v18, v0  }
0x232: {  	v14 =	vsub.s32 v30, v14;
	v11 =	vsub.s32 v2, v11;
	v16 =	vsub.s32 v3, v16  }
0x233: {  	v19 =	vsub.s32 v4, v19;
	v25 =	vsub.s32 v5, v25;
	v26 =	vsub.s32 v6, v26  }
0x234: {  	v27 =	vsub.s32 v7, v27;
	v24 =	vsub.s32 v9, v24;
	v28 =	vsub.s32 v8, v28  }
0x235: {  	v7 =	vsub.s32 v10, v29;
	v6 =	vsub.s32 v12, v23;
	v2 =	vsub.s32 v13, v31  }
0x236: {  	v5 =	vsub.s32 v15, v21;
	v4 =	vsub.s32 v17, v22;
	v3 =	vsub.s32 v20, v18  }
0x237: {  	v12 =	vsub.s32 v14, v0;
	v13 =	vsub.s32 v11, v0;
	v15 =	vsub.s32 v16, v0  }
0x238: {  	v20 =	vsub.s32 v19, v0;
	v22 =	vsub.s32 v25, v0;
	v23 =	vsub.s32 v26, v0  }
0x239: {  	v29 =	vsub.s32 v27, v0;
	v31 =	vsub.s32 v24, v0;
	v30 =	vsub.s32 v28, v0  }
.Ltmp3:
0x23a: {  	v21 =	vsub.s32 v7, v0;
	v18 =	vsub.s32 v6, v0;
	v17 =	vsub.s32 v2, v0;
	(pc) =	sbr.rel @p0 .LBB2_8-.Ltmp3, $4  }
0x23b: {  	v10 =	vsub.s32 v5, v0;
	v9 =	vsub.s32 v4, v0;
	v8 =	vsub.s32 v3, v0  }
0x23c: {  	v12 =	vmin.u32 v14, v12;
	v13 =	vmin.u32 v11, v13;
	v15 =	vmin.u32 v16, v15  }
0x23d: {  	v20 =	vmin.u32 v19, v20;
	v22 =	vmin.u32 v25, v22;
	v19 =	vmin.u32 v26, v23  }
0x23e: {  	s28 =	sadd.s32 $0x100, s28;
	v16 =	vmin.u32 v27, v29;
	v14 =	vmin.u32 v28, v30;
	v11 =	vmin.u32 v24, v31  }
0x23f: {  	v1 =	vsub.s32 v12, v0  }
0x240: {  	v23 =	vsub.s32 v13, v0;
	v1 =	vmin.u32 v12, v1  }
0x241: {  	v37 =	vsub.s32 v15, v0;
	v38 =	vmin.u32 v13, v23;
	[tilespmem:s25+$0xFFFFFF80] =	vst v1  }
0x242: {  	v39 =	vsub.s32 v20, v0;
	v40 =	vmin.u32 v15, v37;
	[tilespmem:s25+$0xFFFFFF90] =	vst v38  }
0x243: {  	v41 =	vsub.s32 v22, v0;
	v42 =	vmin.u32 v20, v39;
	[tilespmem:s25+$0xFFFFFFA0] =	vst v40  }
0x244: {  	v43 =	vsub.s32 v19, v0;
	v44 =	vmin.u32 v22, v41;
	[tilespmem:s25+$0xFFFFFFB0] =	vst v42  }
0x245: {  	v45 =	vsub.s32 v16, v0;
	v46 =	vmin.u32 v19, v43;
	[tilespmem:s25+$0xFFFFFFC0] =	vst v44  }
0x246: {  	v47 =	vsub.s32 v14, v0;
	v48 =	vmin.u32 v16, v45;
	[tilespmem:s25+$0xFFFFFFD0] =	vst v46  }
0x247: {  	v7 =	vmin.u32 v7, v21;
	v49 =	vsub.s32 v11, v0;
	v50 =	vmin.u32 v14, v47;
	[tilespmem:s25+$0xFFFFFFE0] =	vst v48  }
0x248: {  	v6 =	vmin.u32 v6, v18;
	v51 =	vsub.s32 v7, v0;
	v52 =	vmin.u32 v11, v49;
	[tilespmem:s25+$0xFFFFFFF0] =	vst v50  }
0x249: {  	v2 =	vmin.u32 v2, v17;
	v53 =	vsub.s32 v6, v0;
	[tilespmem:s25+$0x0] =	vst v52;
	v54 =	vmin.u32 v7, v51  }
0x24a: {  	v5 =	vmin.u32 v5, v10;
	v55 =	vsub.s32 v2, v0;
	v56 =	vmin.u32 v6, v53;
	[tilespmem:s25+$0x10] =	vst v54  }
0x24b: {  	v4 =	vmin.u32 v4, v9;
	v57 =	vsub.s32 v5, v0;
	v58 =	vmin.u32 v2, v55;
	[tilespmem:s25+$0x20] =	vst v56  }
0x24c: {  	v59 =	vmin.u32 v3, v8;
	v60 =	vsub.s32 v4, v0;
	v61 =	vmin.u32 v5, v57;
	[tilespmem:s25+$0x30] =	vst v58  }
0x24d: {  	v62 =	vsub.s32 v59, v0;
	v63 =	vmin.u32 v4, v60;
	[tilespmem:s25+$0x40] =	vst v61  }
0x24e: {  	v0 =	vmin.u32 v59, v62;
	[tilespmem:s25+$0x50] =	vst v63  }
0x24f: {  	s24 =	sadd.s32 $0x1, s24;
	[tilespmem:s25+$0x60] =	vst v0  }
0x250: {  	[hbm4b:s12+s17] =	stream.strided.scatter [tilespmem:s19], [sflag:$0x4], $0x6400, s18, s17, $0x38;
	[tilespmem:$0xC900] =	vst v63  }
0x251: {  	p0 =	sne.s32 s24, s13;
	_ =	swait.ge [sflag:s21], $0x6400  }
.Ltmp4:
0x252: {  	[sflag:s21] =	ssyncset.done $0x0;
	(pc) =	sbr.rel @p0 .LBB2_1-.Ltmp4, $4  }
0x253: {  	[sflag:s21] =	ssyncadd.s32 $0xFFFF9C00  }
0x254: {  	_ =	swait.ge [sflag:s23], $0x6400  }
0x255: {  	[sflag:s23] =	ssyncset.done $0x0  }
0x256: {  	[sflag:s23] =	ssyncadd.s32 $0xFFFF9C00  }
0x257: {  	_ =	sfence.sel $0x180000  }
0x258: {  	[bflag:$0x0] =	sbarrier.arrive $0xFFFF  }
0x259: {  	p0 =	sne.s32 s2, $0x0;
	_ =	strace $0x90000047  }
0x25a: {  	s0 =	sadd.s32 @!p0 $0x100000, s0;
	[bflag:$0x2] =	sbarrier.arrive $0xFFFF  }
0x25b: {  	[sflag:s0] =	ssyncadd.tile.s32 @!p0 $0x1;
	_ =	shalt  }
.Lfunc_end2:
_tile_overlayer_lowered:
.L_overlay_start_2:
0x25c: {  	(tag) =	ssettag $0x2  }
0x25d: {  	s0 =	rddreg [dreg:$0x0];
	s2 =	stileid.u32  }
0x25e: {  	s1 =	rddreg [dreg:$0x1];
	p0 =	sne.s32 s2, $0x0  }
0x25f: {  	s3 =	rddreg [dreg:$0x2];
	[bflag:$0x3] =	sbarrier.arrive $0xFFFF;
	s2 =	simm.s32 @!p0 $0x1C05  }
0x260: {  	[timem:s3], [sflag:s2] =	dma.local @!p0 [hbm:s0], s1  }
0x261: {  	s0 =	simm.s32 @!p0 $0x5  }
0x262: {  	_ =	swait.ge @!p0 [sflag:s0], s1  }
0x263: {  	s1 =	ssub.s32 @!p0 $0x0, s1;
	[sflag:s0] =	ssyncset.done @!p0 $0x0  }
0x264: {  	[sflag:s0] =	ssyncadd.s32 @!p0 s1  }
0x265: {  	[bflag:$0x3] =	sbarrier.arrive $0xFFFF  }
0x266: {  	_ =	shalt  }

</sc_bundles>
